<compile_context>
chip_gen: v7x
topology: tpu7x:2x2x1
jax: 0.10.2.dev20260603
libtpu: 0.0.44.dev20260713+nightly
codegen_flags: <defaults>
</compile_context>

<pallas_src>
import functools

import jax
import jax.numpy as jnp
from jax import lax
from jax.experimental import pallas as pl
from jax.experimental.pallas import tpu as pltpu
from jax.experimental.pallas import tpu_sc as plsc

NUM_BUCKETS = 1000000
HASH_OFFSET = 13

B = 16384
LANES = 16
NUM_WORKERS = 16
PER_W = B // NUM_WORKERS
GATHER_CHUNK = 128
NUM_CHUNKS = PER_W // GATHER_CHUNK

_LN2_HI = 0.693359375
_LN2_LO = -2.12194440e-4
_SQRT2 = 1.41421356237
_POLY = (7.0376836292e-2, -1.1514610310e-1, 1.1676998740e-1,
         -1.2420140846e-1, 1.4249322787e-1, -1.6668057665e-1,
         2.0000714765e-1, -2.4999993993e-1, 3.3333331174e-1)


def _neg_log16(x):
    bits = lax.bitcast_convert_type(x, jnp.int32)
    e = lax.shift_right_logical(bits, 23) - 127
    m = lax.bitcast_convert_type(
        (bits & 0x007FFFFF) | 0x3F800000, jnp.float32)
    big = m > _SQRT2
    e = jnp.where(big, e + 1, e)
    m = jnp.where(big, m * 0.5, m)
    t = m - 1.0
    z = t * t
    y = jnp.full((LANES,), _POLY[0], jnp.float32)
    for c in _POLY[1:]:
        y = y * t + c
    y = y * t * z
    ef = e.astype(jnp.float32)
    y = y + ef * _LN2_LO
    y = y - 0.5 * z
    return -(t + y + ef * _LN2_HI)


def _body(products_hbm, b_hbm, out_hbm, prod_v, idx_v, vals_v, sem):
    wid = lax.axis_index("s")
    base = wid * PER_W
    pltpu.sync_copy(products_hbm.at[pl.ds(base, PER_W)], prod_v)

    @plsc.parallel_loop(0, PER_W, step=LANES, unroll=4)
    def _hash(i):
        p = prod_v[pl.ds(i, LANES)]
        h = p + HASH_OFFSET
        idx_v[pl.ds(i, LANES)] = jnp.where(h >= NUM_BUCKETS, h - NUM_BUCKETS, h)

    copies = [
        pltpu.async_copy(
            b_hbm.at[idx_v.at[pl.ds(c * GATHER_CHUNK, GATHER_CHUNK)]],
            vals_v.at[pl.ds(c * GATHER_CHUNK, GATHER_CHUNK)],
            sem,
        )
        for c in range(NUM_CHUNKS)
    ]
    for cp in copies:
        cp.wait()

    @plsc.parallel_loop(0, PER_W, step=LANES, unroll=4)
    def _nlog(i):
        vals_v[pl.ds(i, LANES)] = _neg_log16(vals_v[pl.ds(i, LANES)])

    pltpu.sync_copy(vals_v, out_hbm.at[pl.ds(base, PER_W)])


@jax.jit
def kernel(products, b):
    mesh = plsc.VectorSubcoreMesh(core_axis_name="c", subcore_axis_name="s", num_cores=1)
    run = functools.partial(
        pl.kernel,
        mesh=mesh,
        out_type=jax.ShapeDtypeStruct((B,), jnp.float32),
        scratch_types=[
            pltpu.VMEM((PER_W,), jnp.int32),
            pltpu.VMEM((PER_W,), jnp.int32),
            pltpu.VMEM((PER_W,), jnp.float32),
            pltpu.SemaphoreType.DMA,
        ],
    )(_body)
    return run(products, b)

# --- scband reference (transcript-rebuilt; emitter-appended) ---
"""Pipeline reference for scband-streaming-log-qcorrection-module-29042568855748 (READ-ONLY COPY).

The authoritative reference and input builder live on the scoring server;
editing this copy changes nothing except your own understanding.
"""

import jax, jax.numpy as jnp
import numpy as np

NUM_BUCKETS = 1000000
HASH_OFFSET = 13
P_INIT = 0.01


def setup_inputs(seed: int = 0) -> dict:
    key = jax.random.key(seed)
    k1, = jax.random.split(key, 1)
    products = jax.random.randint(k1, (16384,), 0, NUM_BUCKETS, dtype=jnp.int64 if jax.config.jax_enable_x64 else jnp.int32).astype(jnp.int32)
    # buffer b initialized to 1/p_init
    b = (1.0 / P_INIT) * jnp.ones((NUM_BUCKETS,), dtype=jnp.float32)
    return {"products": products, "b": b}


def reference(products, b):
    # hash_fn: (products + hash_offset) % num_buckets
    h = (products + HASH_OFFSET) % NUM_BUCKETS
    # forward: -log(b[h]) reshaped to products shape
    out = -jnp.log(jnp.take(b, h, axis=0)).reshape(products.shape)
    return out

if __name__ == "__main__":
    import jax
    _d = setup_inputs()
    print(jax.jit(kernel)(*tuple(_d.values())))

</pallas_src>

<mosaic_0001>
#map = affine_map<(d0, d1) -> (0)>
module attributes {stable_mosaic.version = 14 : i64} {
  func.func @_body(%arg0: i32, %arg1: i32, %arg2: memref<16384xi32, #tpu.memory_space<hbm>>, %arg3: memref<1000000xf32, #tpu.memory_space<hbm>>, %arg4: memref<16384xf32, #tpu.memory_space<hbm>>, %arg5: memref<1024xi32, #tpu.memory_space<vmem>>, %arg6: memref<1024xi32, #tpu.memory_space<vmem>>, %arg7: memref<1024xf32, #tpu.memory_space<vmem>>, %arg8: memref<!tpu.dma_semaphore, #tpu.memory_space<semaphore_mem>>) attributes {dimension_semantics = [#tpu.dimension_semantics<core_parallel>, #tpu.dimension_semantics<subcore_parallel>], iteration_bounds = array<i64: 1, 16>, scalar_prefetch = 0 : i64, scratch_operands = 4 : i64, tpu.core_type = #tpu.core_type<sc_vector_subcore>, window_params = [{transform_indices = #map}, {transform_indices = #map}, {transform_indices = #map}]} {
    %mul3A = arith.constant 1024 : i32
    %mul3A_0 = arith.muli %arg1, %mul3A : i32
    "tpu.region"() ({
      %run_scoped3A = tpu.sem_alloc : memref<!tpu.dma_semaphore, #tpu.memory_space<semaphore_mem>>
      %dma_start3A_100 = tpu.memref_slice %arg2[%mul3A_0] : memref<16384xi32, #tpu.memory_space<hbm>> -> memref<1024xi32, #tpu.memory_space<hbm>>
      %dma_start3A_101 = tpu.memref_slice %arg2[%mul3A_0] : memref<16384xi32, #tpu.memory_space<hbm>> -> memref<1024xi32, #tpu.memory_space<hbm>>
      tpu.enqueue_dma source(%dma_start3A_101 : memref<1024xi32, #tpu.memory_space<hbm>>) target(%arg5 : memref<1024xi32, #tpu.memory_space<vmem>>) target_semaphore(%run_scoped3A : memref<!tpu.dma_semaphore, #tpu.memory_space<semaphore_mem>>)
      %dma_wait3A_102 = tpu.memref_slice %arg2[%mul3A_0] : memref<16384xi32, #tpu.memory_space<hbm>> -> memref<1024xi32, #tpu.memory_space<hbm>>
      %dma_wait3A_103 = tpu.memref_slice %arg2[%mul3A_0] : memref<16384xi32, #tpu.memory_space<hbm>> -> memref<1024xi32, #tpu.memory_space<hbm>>
      tpu.wait_dma2 semaphore(%run_scoped3A : memref<!tpu.dma_semaphore, #tpu.memory_space<semaphore_mem>>) src(%dma_wait3A_103 : memref<1024xi32, #tpu.memory_space<hbm>>) dst(%arg5 : memref<1024xi32, #tpu.memory_space<vmem>>)
      tpu.yield
    }) : () -> ()
    %parallel_loop3A = arith.constant 0 : i32
    %parallel_loop3A_1 = arith.constant 1024 : i32
    %parallel_loop3A_2 = arith.constant 16 : i32
    scf.for %parallel_loop3A_100 = %parallel_loop3A to %parallel_loop3A_1 step %parallel_loop3A_2  : i32 {
      %parallel_loop3A_101 = arith.index_cast %parallel_loop3A_100 : i32 to index
      %parallel_loop3A_102 = tpu.vector_load %arg5[%parallel_loop3A_101] {strides = array<i32>} : memref<1024xi32, #tpu.memory_space<vmem>>, vector<16xi32>,
      %parallel_loop3A_103 = vector.shape_cast %parallel_loop3A_102 : vector<16xi32> to vector<16xi32>
      %parallel_loop3A_104 = arith.constant 13 : i32
      %parallel_loop3A_105 = vector.broadcast %parallel_loop3A_104 : i32 to vector<16xi32>
      %parallel_loop3A_106 = arith.addi %parallel_loop3A_103, %parallel_loop3A_105 : vector<16xi32>
      %parallel_loop3A_107 = arith.constant 1000000 : i32
      %parallel_loop3A_108 = vector.broadcast %parallel_loop3A_107 : i32 to vector<16xi32>
      %parallel_loop3A_109 = arith.cmpi sge, %parallel_loop3A_106, %parallel_loop3A_108 : vector<16xi32>
      %parallel_loop3A_110 = arith.constant 1000000 : i32
      %parallel_loop3A_111 = vector.broadcast %parallel_loop3A_110 : i32 to vector<16xi32>
      %parallel_loop3A_112 = arith.subi %parallel_loop3A_106, %parallel_loop3A_111 : vector<16xi32>
      %parallel_loop3A_113 = arith.select %parallel_loop3A_109, %parallel_loop3A_112, %parallel_loop3A_106 : vector<16xi1>, vector<16xi32>
      %parallel_loop3A_114 = arith.index_cast %parallel_loop3A_100 : i32 to index
      %parallel_loop3A_115 = tpu.vector_load %arg6[%parallel_loop3A_114] {strides = array<i32>} : memref<1024xi32, #tpu.memory_space<vmem>>, vector<16xi32>,
      %parallel_loop3A_116 = vector.shape_cast %parallel_loop3A_115 : vector<16xi32> to vector<16xi32>
      %parallel_loop3A_117 = vector.shape_cast %parallel_loop3A_113 : vector<16xi32> to vector<16xi32>
      tpu.vector_store %arg6[%parallel_loop3A_114], %parallel_loop3A_117 {strides = array<i32>} : memref<1024xi32, #tpu.memory_space<vmem>>, vector<16xi32>,
    } {sc.loop_unroll_factor = 4 : i64, sc.parallel_access}
    %dma_start3A = arith.constant 0 : i32
    %dma_start3A_3 = tpu.memref_slice %arg7[%dma_start3A] : memref<1024xf32, #tpu.memory_space<vmem>> -> memref<128xf32, #tpu.memory_space<vmem>>
    %dma_start3A_4 = arith.constant 0 : i32
    %dma_start3A_5 = tpu.memref_slice %arg6[%dma_start3A_4] : memref<1024xi32, #tpu.memory_space<vmem>> -> memref<128xi32, #tpu.memory_space<vmem>>
    %dma_start3A_6 = arith.constant 0 : i32
    %dma_start3A_7 = tpu.memref_slice %arg3[%dma_start3A_6] : memref<1000000xf32, #tpu.memory_space<hbm>> -> memref<1000000xf32, #tpu.memory_space<hbm>>
    tpu.enqueue_indirect_dma source(%dma_start3A_7 : memref<1000000xf32, #tpu.memory_space<hbm>>) target(%dma_start3A_3 : memref<128xf32, #tpu.memory_space<vmem>>) offsets(%dma_start3A_5 : memref<128xi32, #tpu.memory_space<vmem>>) semaphore(%arg8 : memref<!tpu.dma_semaphore, #tpu.memory_space<semaphore_mem>>)
    %dma_start3A_8 = arith.constant 128 : i32
    %dma_start3A_9 = tpu.memref_slice %arg7[%dma_start3A_8] : memref<1024xf32, #tpu.memory_space<vmem>> -> memref<128xf32, #tpu.memory_space<vmem>>
    %dma_start3A_10 = arith.constant 128 : i32
    %dma_start3A_11 = tpu.memref_slice %arg6[%dma_start3A_10] : memref<1024xi32, #tpu.memory_space<vmem>> -> memref<128xi32, #tpu.memory_space<vmem>>
    %dma_start3A_12 = arith.constant 0 : i32
    %dma_start3A_13 = tpu.memref_slice %arg3[%dma_start3A_12] : memref<1000000xf32, #tpu.memory_space<hbm>> -> memref<1000000xf32, #tpu.memory_space<hbm>>
    tpu.enqueue_indirect_dma source(%dma_start3A_13 : memref<1000000xf32, #tpu.memory_space<hbm>>) target(%dma_start3A_9 : memref<128xf32, #tpu.memory_space<vmem>>) offsets(%dma_start3A_11 : memref<128xi32, #tpu.memory_space<vmem>>) semaphore(%arg8 : memref<!tpu.dma_semaphore, #tpu.memory_space<semaphore_mem>>)
    %dma_start3A_14 = arith.constant 256 : i32
    %dma_start3A_15 = tpu.memref_slice %arg7[%dma_start3A_14] : memref<1024xf32, #tpu.memory_space<vmem>> -> memref<128xf32, #tpu.memory_space<vmem>>
    %dma_start3A_16 = arith.constant 256 : i32
    %dma_start3A_17 = tpu.memref_slice %arg6[%dma_start3A_16] : memref<1024xi32, #tpu.memory_space<vmem>> -> memref<128xi32, #tpu.memory_space<vmem>>
    %dma_start3A_18 = arith.constant 0 : i32
    %dma_start3A_19 = tpu.memref_slice %arg3[%dma_start3A_18] : memref<1000000xf32, #tpu.memory_space<hbm>> -> memref<1000000xf32, #tpu.memory_space<hbm>>
    tpu.enqueue_indirect_dma source(%dma_start3A_19 : memref<1000000xf32, #tpu.memory_space<hbm>>) target(%dma_start3A_15 : memref<128xf32, #tpu.memory_space<vmem>>) offsets(%dma_start3A_17 : memref<128xi32, #tpu.memory_space<vmem>>) semaphore(%arg8 : memref<!tpu.dma_semaphore, #tpu.memory_space<semaphore_mem>>)
    %dma_start3A_20 = arith.constant 384 : i32
    %dma_start3A_21 = tpu.memref_slice %arg7[%dma_start3A_20] : memref<1024xf32, #tpu.memory_space<vmem>> -> memref<128xf32, #tpu.memory_space<vmem>>
    %dma_start3A_22 = arith.constant 384 : i32
    %dma_start3A_23 = tpu.memref_slice %arg6[%dma_start3A_22] : memref<1024xi32, #tpu.memory_space<vmem>> -> memref<128xi32, #tpu.memory_space<vmem>>
    %dma_start3A_24 = arith.constant 0 : i32
    %dma_start3A_25 = tpu.memref_slice %arg3[%dma_start3A_24] : memref<1000000xf32, #tpu.memory_space<hbm>> -> memref<1000000xf32, #tpu.memory_space<hbm>>
    tpu.enqueue_indirect_dma source(%dma_start3A_25 : memref<1000000xf32, #tpu.memory_space<hbm>>) target(%dma_start3A_21 : memref<128xf32, #tpu.memory_space<vmem>>) offsets(%dma_start3A_23 : memref<128xi32, #tpu.memory_space<vmem>>) semaphore(%arg8 : memref<!tpu.dma_semaphore, #tpu.memory_space<semaphore_mem>>)
    %dma_start3A_26 = arith.constant 512 : i32
    %dma_start3A_27 = tpu.memref_slice %arg7[%dma_start3A_26] : memref<1024xf32, #tpu.memory_space<vmem>> -> memref<128xf32, #tpu.memory_space<vmem>>
    %dma_start3A_28 = arith.constant 512 : i32
    %dma_start3A_29 = tpu.memref_slice %arg6[%dma_start3A_28] : memref<1024xi32, #tpu.memory_space<vmem>> -> memref<128xi32, #tpu.memory_space<vmem>>
    %dma_start3A_30 = arith.constant 0 : i32
    %dma_start3A_31 = tpu.memref_slice %arg3[%dma_start3A_30] : memref<1000000xf32, #tpu.memory_space<hbm>> -> memref<1000000xf32, #tpu.memory_space<hbm>>
    tpu.enqueue_indirect_dma source(%dma_start3A_31 : memref<1000000xf32, #tpu.memory_space<hbm>>) target(%dma_start3A_27 : memref<128xf32, #tpu.memory_space<vmem>>) offsets(%dma_start3A_29 : memref<128xi32, #tpu.memory_space<vmem>>) semaphore(%arg8 : memref<!tpu.dma_semaphore, #tpu.memory_space<semaphore_mem>>)
    %dma_start3A_32 = arith.constant 640 : i32
    %dma_start3A_33 = tpu.memref_slice %arg7[%dma_start3A_32] : memref<1024xf32, #tpu.memory_space<vmem>> -> memref<128xf32, #tpu.memory_space<vmem>>
    %dma_start3A_34 = arith.constant 640 : i32
    %dma_start3A_35 = tpu.memref_slice %arg6[%dma_start3A_34] : memref<1024xi32, #tpu.memory_space<vmem>> -> memref<128xi32, #tpu.memory_space<vmem>>
    %dma_start3A_36 = arith.constant 0 : i32
    %dma_start3A_37 = tpu.memref_slice %arg3[%dma_start3A_36] : memref<1000000xf32, #tpu.memory_space<hbm>> -> memref<1000000xf32, #tpu.memory_space<hbm>>
    tpu.enqueue_indirect_dma source(%dma_start3A_37 : memref<1000000xf32, #tpu.memory_space<hbm>>) target(%dma_start3A_33 : memref<128xf32, #tpu.memory_space<vmem>>) offsets(%dma_start3A_35 : memref<128xi32, #tpu.memory_space<vmem>>) semaphore(%arg8 : memref<!tpu.dma_semaphore, #tpu.memory_space<semaphore_mem>>)
    %dma_start3A_38 = arith.constant 768 : i32
    %dma_start3A_39 = tpu.memref_slice %arg7[%dma_start3A_38] : memref<1024xf32, #tpu.memory_space<vmem>> -> memref<128xf32, #tpu.memory_space<vmem>>
    %dma_start3A_40 = arith.constant 768 : i32
    %dma_start3A_41 = tpu.memref_slice %arg6[%dma_start3A_40] : memref<1024xi32, #tpu.memory_space<vmem>> -> memref<128xi32, #tpu.memory_space<vmem>>
    %dma_start3A_42 = arith.constant 0 : i32
    %dma_start3A_43 = tpu.memref_slice %arg3[%dma_start3A_42] : memref<1000000xf32, #tpu.memory_space<hbm>> -> memref<1000000xf32, #tpu.memory_space<hbm>>
    tpu.enqueue_indirect_dma source(%dma_start3A_43 : memref<1000000xf32, #tpu.memory_space<hbm>>) target(%dma_start3A_39 : memref<128xf32, #tpu.memory_space<vmem>>) offsets(%dma_start3A_41 : memref<128xi32, #tpu.memory_space<vmem>>) semaphore(%arg8 : memref<!tpu.dma_semaphore, #tpu.memory_space<semaphore_mem>>)
    %dma_start3A_44 = arith.constant 896 : i32
    %dma_start3A_45 = tpu.memref_slice %arg7[%dma_start3A_44] : memref<1024xf32, #tpu.memory_space<vmem>> -> memref<128xf32, #tpu.memory_space<vmem>>
    %dma_start3A_46 = arith.constant 896 : i32
    %dma_start3A_47 = tpu.memref_slice %arg6[%dma_start3A_46] : memref<1024xi32, #tpu.memory_space<vmem>> -> memref<128xi32, #tpu.memory_space<vmem>>
    %dma_start3A_48 = arith.constant 0 : i32
    %dma_start3A_49 = tpu.memref_slice %arg3[%dma_start3A_48] : memref<1000000xf32, #tpu.memory_space<hbm>> -> memref<1000000xf32, #tpu.memory_space<hbm>>
    tpu.enqueue_indirect_dma source(%dma_start3A_49 : memref<1000000xf32, #tpu.memory_space<hbm>>) target(%dma_start3A_45 : memref<128xf32, #tpu.memory_space<vmem>>) offsets(%dma_start3A_47 : memref<128xi32, #tpu.memory_space<vmem>>) semaphore(%arg8 : memref<!tpu.dma_semaphore, #tpu.memory_space<semaphore_mem>>)
    %dma_wait3A = arith.constant 0 : i32
    %dma_wait3A_50 = tpu.memref_slice %arg7[%dma_wait3A] : memref<1024xf32, #tpu.memory_space<vmem>> -> memref<128xf32, #tpu.memory_space<vmem>>
    %dma_wait3A_51 = arith.constant 0 : i32
    %dma_wait3A_52 = tpu.memref_slice %arg6[%dma_wait3A_51] : memref<1024xi32, #tpu.memory_space<vmem>> -> memref<128xi32, #tpu.memory_space<vmem>>
    %dma_wait3A_53 = arith.constant 0 : i32
    %dma_wait3A_54 = tpu.memref_slice %arg3[%dma_wait3A_53] : memref<1000000xf32, #tpu.memory_space<hbm>> -> memref<1000000xf32, #tpu.memory_space<hbm>>
    tpu.wait_indirect_dma semaphore(%arg8 : memref<!tpu.dma_semaphore, #tpu.memory_space<semaphore_mem>>) src(%dma_wait3A_54 : memref<1000000xf32, #tpu.memory_space<hbm>>) dst(%dma_wait3A_50 : memref<128xf32, #tpu.memory_space<vmem>>)
    %dma_wait3A_55 = arith.constant 128 : i32
    %dma_wait3A_56 = tpu.memref_slice %arg7[%dma_wait3A_55] : memref<1024xf32, #tpu.memory_space<vmem>> -> memref<128xf32, #tpu.memory_space<vmem>>
    %dma_wait3A_57 = arith.constant 128 : i32
    %dma_wait3A_58 = tpu.memref_slice %arg6[%dma_wait3A_57] : memref<1024xi32, #tpu.memory_space<vmem>> -> memref<128xi32, #tpu.memory_space<vmem>>
    %dma_wait3A_59 = arith.constant 0 : i32
    %dma_wait3A_60 = tpu.memref_slice %arg3[%dma_wait3A_59] : memref<1000000xf32, #tpu.memory_space<hbm>> -> memref<1000000xf32, #tpu.memory_space<hbm>>
    tpu.wait_indirect_dma semaphore(%arg8 : memref<!tpu.dma_semaphore, #tpu.memory_space<semaphore_mem>>) src(%dma_wait3A_60 : memref<1000000xf32, #tpu.memory_space<hbm>>) dst(%dma_wait3A_56 : memref<128xf32, #tpu.memory_space<vmem>>)
    %dma_wait3A_61 = arith.constant 256 : i32
    %dma_wait3A_62 = tpu.memref_slice %arg7[%dma_wait3A_61] : memref<1024xf32, #tpu.memory_space<vmem>> -> memref<128xf32, #tpu.memory_space<vmem>>
    %dma_wait3A_63 = arith.constant 256 : i32
    %dma_wait3A_64 = tpu.memref_slice %arg6[%dma_wait3A_63] : memref<1024xi32, #tpu.memory_space<vmem>> -> memref<128xi32, #tpu.memory_space<vmem>>
    %dma_wait3A_65 = arith.constant 0 : i32
    %dma_wait3A_66 = tpu.memref_slice %arg3[%dma_wait3A_65] : memref<1000000xf32, #tpu.memory_space<hbm>> -> memref<1000000xf32, #tpu.memory_space<hbm>>
    tpu.wait_indirect_dma semaphore(%arg8 : memref<!tpu.dma_semaphore, #tpu.memory_space<semaphore_mem>>) src(%dma_wait3A_66 : memref<1000000xf32, #tpu.memory_space<hbm>>) dst(%dma_wait3A_62 : memref<128xf32, #tpu.memory_space<vmem>>)
    %dma_wait3A_67 = arith.constant 384 : i32
    %dma_wait3A_68 = tpu.memref_slice %arg7[%dma_wait3A_67] : memref<1024xf32, #tpu.memory_space<vmem>> -> memref<128xf32, #tpu.memory_space<vmem>>
    %dma_wait3A_69 = arith.constant 384 : i32
    %dma_wait3A_70 = tpu.memref_slice %arg6[%dma_wait3A_69] : memref<1024xi32, #tpu.memory_space<vmem>> -> memref<128xi32, #tpu.memory_space<vmem>>
    %dma_wait3A_71 = arith.constant 0 : i32
    %dma_wait3A_72 = tpu.memref_slice %arg3[%dma_wait3A_71] : memref<1000000xf32, #tpu.memory_space<hbm>> -> memref<1000000xf32, #tpu.memory_space<hbm>>
    tpu.wait_indirect_dma semaphore(%arg8 : memref<!tpu.dma_semaphore, #tpu.memory_space<semaphore_mem>>) src(%dma_wait3A_72 : memref<1000000xf32, #tpu.memory_space<hbm>>) dst(%dma_wait3A_68 : memref<128xf32, #tpu.memory_space<vmem>>)
    %dma_wait3A_73 = arith.constant 512 : i32
    %dma_wait3A_74 = tpu.memref_slice %arg7[%dma_wait3A_73] : memref<1024xf32, #tpu.memory_space<vmem>> -> memref<128xf32, #tpu.memory_space<vmem>>
    %dma_wait3A_75 = arith.constant 512 : i32
    %dma_wait3A_76 = tpu.memref_slice %arg6[%dma_wait3A_75] : memref<1024xi32, #tpu.memory_space<vmem>> -> memref<128xi32, #tpu.memory_space<vmem>>
    %dma_wait3A_77 = arith.constant 0 : i32
    %dma_wait3A_78 = tpu.memref_slice %arg3[%dma_wait3A_77] : memref<1000000xf32, #tpu.memory_space<hbm>> -> memref<1000000xf32, #tpu.memory_space<hbm>>
    tpu.wait_indirect_dma semaphore(%arg8 : memref<!tpu.dma_semaphore, #tpu.memory_space<semaphore_mem>>) src(%dma_wait3A_78 : memref<1000000xf32, #tpu.memory_space<hbm>>) dst(%dma_wait3A_74 : memref<128xf32, #tpu.memory_space<vmem>>)
    %dma_wait3A_79 = arith.constant 640 : i32
    %dma_wait3A_80 = tpu.memref_slice %arg7[%dma_wait3A_79] : memref<1024xf32, #tpu.memory_space<vmem>> -> memref<128xf32, #tpu.memory_space<vmem>>
    %dma_wait3A_81 = arith.constant 640 : i32
    %dma_wait3A_82 = tpu.memref_slice %arg6[%dma_wait3A_81] : memref<1024xi32, #tpu.memory_space<vmem>> -> memref<128xi32, #tpu.memory_space<vmem>>
    %dma_wait3A_83 = arith.constant 0 : i32
    %dma_wait3A_84 = tpu.memref_slice %arg3[%dma_wait3A_83] : memref<1000000xf32, #tpu.memory_space<hbm>> -> memref<1000000xf32, #tpu.memory_space<hbm>>
    tpu.wait_indirect_dma semaphore(%arg8 : memref<!tpu.dma_semaphore, #tpu.memory_space<semaphore_mem>>) src(%dma_wait3A_84 : memref<1000000xf32, #tpu.memory_space<hbm>>) dst(%dma_wait3A_80 : memref<128xf32, #tpu.memory_space<vmem>>)
    %dma_wait3A_85 = arith.constant 768 : i32
    %dma_wait3A_86 = tpu.memref_slice %arg7[%dma_wait3A_85] : memref<1024xf32, #tpu.memory_space<vmem>> -> memref<128xf32, #tpu.memory_space<vmem>>
    %dma_wait3A_87 = arith.constant 768 : i32
    %dma_wait3A_88 = tpu.memref_slice %arg6[%dma_wait3A_87] : memref<1024xi32, #tpu.memory_space<vmem>> -> memref<128xi32, #tpu.memory_space<vmem>>
    %dma_wait3A_89 = arith.constant 0 : i32
    %dma_wait3A_90 = tpu.memref_slice %arg3[%dma_wait3A_89] : memref<1000000xf32, #tpu.memory_space<hbm>> -> memref<1000000xf32, #tpu.memory_space<hbm>>
    tpu.wait_indirect_dma semaphore(%arg8 : memref<!tpu.dma_semaphore, #tpu.memory_space<semaphore_mem>>) src(%dma_wait3A_90 : memref<1000000xf32, #tpu.memory_space<hbm>>) dst(%dma_wait3A_86 : memref<128xf32, #tpu.memory_space<vmem>>)
    %dma_wait3A_91 = arith.constant 896 : i32
    %dma_wait3A_92 = tpu.memref_slice %arg7[%dma_wait3A_91] : memref<1024xf32, #tpu.memory_space<vmem>> -> memref<128xf32, #tpu.memory_space<vmem>>
    %dma_wait3A_93 = arith.constant 896 : i32
    %dma_wait3A_94 = tpu.memref_slice %arg6[%dma_wait3A_93] : memref<1024xi32, #tpu.memory_space<vmem>> -> memref<128xi32, #tpu.memory_space<vmem>>
    %dma_wait3A_95 = arith.constant 0 : i32
    %dma_wait3A_96 = tpu.memref_slice %arg3[%dma_wait3A_95] : memref<1000000xf32, #tpu.memory_space<hbm>> -> memref<1000000xf32, #tpu.memory_space<hbm>>
    tpu.wait_indirect_dma semaphore(%arg8 : memref<!tpu.dma_semaphore, #tpu.memory_space<semaphore_mem>>) src(%dma_wait3A_96 : memref<1000000xf32, #tpu.memory_space<hbm>>) dst(%dma_wait3A_92 : memref<128xf32, #tpu.memory_space<vmem>>)
    %parallel_loop3A_97 = arith.constant 0 : i32
    %parallel_loop3A_98 = arith.constant 1024 : i32
    %parallel_loop3A_99 = arith.constant 16 : i32
    scf.for %parallel_loop3A_100 = %parallel_loop3A_97 to %parallel_loop3A_98 step %parallel_loop3A_99  : i32 {
      %parallel_loop3A_101 = arith.index_cast %parallel_loop3A_100 : i32 to index
      %parallel_loop3A_102 = tpu.vector_load %arg7[%parallel_loop3A_101] {strides = array<i32>} : memref<1024xf32, #tpu.memory_space<vmem>>, vector<16xf32>,
      %parallel_loop3A_103 = vector.shape_cast %parallel_loop3A_102 : vector<16xf32> to vector<16xf32>
      %parallel_loop3A_104 = tpu.bitcast %parallel_loop3A_103 : vector<16xf32> -> vector<16xi32>
      %parallel_loop3A_105 = arith.constant 23 : i32
      %parallel_loop3A_106 = vector.broadcast %parallel_loop3A_105 : i32 to vector<16xi32>
      %parallel_loop3A_107 = arith.shrui %parallel_loop3A_104, %parallel_loop3A_106 : vector<16xi32>
      %parallel_loop3A_108 = arith.constant 127 : i32
      %parallel_loop3A_109 = vector.broadcast %parallel_loop3A_108 : i32 to vector<16xi32>
      %parallel_loop3A_110 = arith.subi %parallel_loop3A_107, %parallel_loop3A_109 : vector<16xi32>
      %parallel_loop3A_111 = arith.constant 8388607 : i32
      %parallel_loop3A_112 = vector.broadcast %parallel_loop3A_111 : i32 to vector<16xi32>
      %parallel_loop3A_113 = arith.andi %parallel_loop3A_104, %parallel_loop3A_112 : vector<16xi32>
      %parallel_loop3A_114 = arith.constant 1065353216 : i32
      %parallel_loop3A_115 = vector.broadcast %parallel_loop3A_114 : i32 to vector<16xi32>
      %parallel_loop3A_116 = arith.ori %parallel_loop3A_113, %parallel_loop3A_115 : vector<16xi32>
      %parallel_loop3A_117 = tpu.bitcast %parallel_loop3A_116 : vector<16xi32> -> vector<16xf32>
      %parallel_loop3A_118 = arith.constant 1.41421354 : f32
      %parallel_loop3A_119 = vector.broadcast %parallel_loop3A_118 : f32 to vector<16xf32>
      %parallel_loop3A_120 = arith.cmpf ogt, %parallel_loop3A_117, %parallel_loop3A_119 : vector<16xf32>
      %parallel_loop3A_121 = arith.constant 1 : i32
      %parallel_loop3A_122 = vector.broadcast %parallel_loop3A_121 : i32 to vector<16xi32>
      %parallel_loop3A_123 = arith.addi %parallel_loop3A_110, %parallel_loop3A_122 : vector<16xi32>
      %parallel_loop3A_124 = arith.select %parallel_loop3A_120, %parallel_loop3A_123, %parallel_loop3A_110 : vector<16xi1>, vector<16xi32>
      %parallel_loop3A_125 = arith.constant 5.000000e-01 : f32
      %parallel_loop3A_126 = vector.broadcast %parallel_loop3A_125 : f32 to vector<16xf32>
      %parallel_loop3A_127 = arith.mulf %parallel_loop3A_117, %parallel_loop3A_126 : vector<16xf32>
      %parallel_loop3A_128 = arith.select %parallel_loop3A_120, %parallel_loop3A_127, %parallel_loop3A_117 : vector<16xi1>, vector<16xf32>
      %parallel_loop3A_129 = arith.constant 1.000000e+00 : f32
      %parallel_loop3A_130 = vector.broadcast %parallel_loop3A_129 : f32 to vector<16xf32>
      %parallel_loop3A_131 = arith.subf %parallel_loop3A_128, %parallel_loop3A_130 : vector<16xf32>
      %parallel_loop3A_132 = arith.mulf %parallel_loop3A_131, %parallel_loop3A_131 : vector<16xf32>
      %parallel_loop3A_133 = arith.constant 0.0703768358 : f32
      %parallel_loop3A_134 = vector.broadcast %parallel_loop3A_133 : f32 to vector<16xf32>
      %parallel_loop3A_135 = arith.mulf %parallel_loop3A_134, %parallel_loop3A_131 : vector<16xf32>
      %parallel_loop3A_136 = arith.constant -0.115146101 : f32
      %parallel_loop3A_137 = vector.broadcast %parallel_loop3A_136 : f32 to vector<16xf32>
      %parallel_loop3A_138 = arith.addf %parallel_loop3A_135, %parallel_loop3A_137 : vector<16xf32>
      %parallel_loop3A_139 = arith.mulf %parallel_loop3A_138, %parallel_loop3A_131 : vector<16xf32>
      %parallel_loop3A_140 = arith.constant 0.116769984 : f32
      %parallel_loop3A_141 = vector.broadcast %parallel_loop3A_140 : f32 to vector<16xf32>
      %parallel_loop3A_142 = arith.addf %parallel_loop3A_139, %parallel_loop3A_141 : vector<16xf32>
      %parallel_loop3A_143 = arith.mulf %parallel_loop3A_142, %parallel_loop3A_131 : vector<16xf32>
      %parallel_loop3A_144 = arith.constant -0.12420141 : f32
      %parallel_loop3A_145 = vector.broadcast %parallel_loop3A_144 : f32 to vector<16xf32>
      %parallel_loop3A_146 = arith.addf %parallel_loop3A_143, %parallel_loop3A_145 : vector<16xf32>
      %parallel_loop3A_147 = arith.mulf %parallel_loop3A_146, %parallel_loop3A_131 : vector<16xf32>
      %parallel_loop3A_148 = arith.constant 0.142493233 : f32
      %parallel_loop3A_149 = vector.broadcast %parallel_loop3A_148 : f32 to vector<16xf32>
      %parallel_loop3A_150 = arith.addf %parallel_loop3A_147, %parallel_loop3A_149 : vector<16xf32>
      %parallel_loop3A_151 = arith.mulf %parallel_loop3A_150, %parallel_loop3A_131 : vector<16xf32>
      %parallel_loop3A_152 = arith.constant -0.166680574 : f32
      %parallel_loop3A_153 = vector.broadcast %parallel_loop3A_152 : f32 to vector<16xf32>
      %parallel_loop3A_154 = arith.addf %parallel_loop3A_151, %parallel_loop3A_153 : vector<16xf32>
      %parallel_loop3A_155 = arith.mulf %parallel_loop3A_154, %parallel_loop3A_131 : vector<16xf32>
      %parallel_loop3A_156 = arith.constant 0.200007141 : f32
      %parallel_loop3A_157 = vector.broadcast %parallel_loop3A_156 : f32 to vector<16xf32>
      %parallel_loop3A_158 = arith.addf %parallel_loop3A_155, %parallel_loop3A_157 : vector<16xf32>
      %parallel_loop3A_159 = arith.mulf %parallel_loop3A_158, %parallel_loop3A_131 : vector<16xf32>
      %parallel_loop3A_160 = arith.constant -0.24999994 : f32
      %parallel_loop3A_161 = vector.broadcast %parallel_loop3A_160 : f32 to vector<16xf32>
      %parallel_loop3A_162 = arith.addf %parallel_loop3A_159, %parallel_loop3A_161 : vector<16xf32>
      %parallel_loop3A_163 = arith.mulf %parallel_loop3A_162, %parallel_loop3A_131 : vector<16xf32>
      %parallel_loop3A_164 = arith.constant 0.333333313 : f32
      %parallel_loop3A_165 = vector.broadcast %parallel_loop3A_164 : f32 to vector<16xf32>
      %parallel_loop3A_166 = arith.addf %parallel_loop3A_163, %parallel_loop3A_165 : vector<16xf32>
      %parallel_loop3A_167 = arith.mulf %parallel_loop3A_166, %parallel_loop3A_131 : vector<16xf32>
      %parallel_loop3A_168 = arith.mulf %parallel_loop3A_167, %parallel_loop3A_132 : vector<16xf32>
      %parallel_loop3A_169 = arith.sitofp %parallel_loop3A_124 : vector<16xi32> to vector<16xf32>
      %parallel_loop3A_170 = arith.constant -2.12194442E-4 : f32
      %parallel_loop3A_171 = vector.broadcast %parallel_loop3A_170 : f32 to vector<16xf32>
      %parallel_loop3A_172 = arith.mulf %parallel_loop3A_169, %parallel_loop3A_171 : vector<16xf32>
      %parallel_loop3A_173 = arith.addf %parallel_loop3A_168, %parallel_loop3A_172 : vector<16xf32>
      %parallel_loop3A_174 = arith.constant 5.000000e-01 : f32
      %parallel_loop3A_175 = vector.broadcast %parallel_loop3A_174 : f32 to vector<16xf32>
      %parallel_loop3A_176 = arith.mulf %parallel_loop3A_175, %parallel_loop3A_132 : vector<16xf32>
      %parallel_loop3A_177 = arith.subf %parallel_loop3A_173, %parallel_loop3A_176 : vector<16xf32>
      %parallel_loop3A_178 = arith.addf %parallel_loop3A_131, %parallel_loop3A_177 : vector<16xf32>
      %parallel_loop3A_179 = arith.constant 0.693359375 : f32
      %parallel_loop3A_180 = vector.broadcast %parallel_loop3A_179 : f32 to vector<16xf32>
      %parallel_loop3A_181 = arith.mulf %parallel_loop3A_169, %parallel_loop3A_180 : vector<16xf32>
      %parallel_loop3A_182 = arith.addf %parallel_loop3A_178, %parallel_loop3A_181 : vector<16xf32>
      %parallel_loop3A_183 = arith.constant 0.000000e+00 : f32
      %parallel_loop3A_184 = vector.broadcast %parallel_loop3A_183 : f32 to vector<16xf32>
      %parallel_loop3A_185 = arith.subf %parallel_loop3A_184, %parallel_loop3A_182 : vector<16xf32>
      %parallel_loop3A_186 = arith.index_cast %parallel_loop3A_100 : i32 to index
      %parallel_loop3A_187 = tpu.vector_load %arg7[%parallel_loop3A_186] {strides = array<i32>} : memref<1024xf32, #tpu.memory_space<vmem>>, vector<16xf32>,
      %parallel_loop3A_188 = vector.shape_cast %parallel_loop3A_187 : vector<16xf32> to vector<16xf32>
      %parallel_loop3A_189 = vector.shape_cast %parallel_loop3A_185 : vector<16xf32> to vector<16xf32>
      tpu.vector_store %arg7[%parallel_loop3A_186], %parallel_loop3A_189 {strides = array<i32>} : memref<1024xf32, #tpu.memory_space<vmem>>, vector<16xf32>,
    } {sc.loop_unroll_factor = 4 : i64, sc.parallel_access}
    "tpu.region"() ({
      %run_scoped3A = tpu.sem_alloc : memref<!tpu.dma_semaphore, #tpu.memory_space<semaphore_mem>>
      %dma_start3A_100 = tpu.memref_slice %arg4[%mul3A_0] : memref<16384xf32, #tpu.memory_space<hbm>> -> memref<1024xf32, #tpu.memory_space<hbm>>
      %dma_start3A_101 = tpu.memref_slice %arg4[%mul3A_0] : memref<16384xf32, #tpu.memory_space<hbm>> -> memref<1024xf32, #tpu.memory_space<hbm>>
      tpu.enqueue_dma source(%arg7 : memref<1024xf32, #tpu.memory_space<vmem>>) target(%dma_start3A_101 : memref<1024xf32, #tpu.memory_space<hbm>>) target_semaphore(%run_scoped3A : memref<!tpu.dma_semaphore, #tpu.memory_space<semaphore_mem>>)
      %dma_wait3A_102 = tpu.memref_slice %arg4[%mul3A_0] : memref<16384xf32, #tpu.memory_space<hbm>> -> memref<1024xf32, #tpu.memory_space<hbm>>
      %dma_wait3A_103 = tpu.memref_slice %arg4[%mul3A_0] : memref<16384xf32, #tpu.memory_space<hbm>> -> memref<1024xf32, #tpu.memory_space<hbm>>
      tpu.wait_dma2 semaphore(%run_scoped3A : memref<!tpu.dma_semaphore, #tpu.memory_space<semaphore_mem>>) src(%arg7 : memref<1024xf32, #tpu.memory_space<vmem>>) dst(%dma_wait3A_103 : memref<1024xf32, #tpu.memory_space<hbm>>)
      tpu.yield
    }) : () -> ()
    return
  }
}

</mosaic_0001>

<sc_bundles>
// kernel: kernel.3.cloned.1.call-start
scs
__scs_entry_jumppad:
0x0: {  	(pc) =	sbr.rel $0x88, $3  }
0x1: {  	(tag) =	ssettag $0x0;
	lr =	simm.s32 $0x1  }
0x2: {  	[smem:$0x3F9F] =	sst lr;
	_ =	strace $0xD0000000  }
0x3: {  	_ = 	snop  }
0x4: {  	_ = 	snop  }
0x5: {  	_ = 	snop  }
0x6: {  	_ = 	snop  }
0x7: {  	_ = 	snop  }
__scs_overlays_trampoline_lowered:
0x8: {  	[smem:$0x3FAE] =	sst s0  }
0x9: {  	[smem:$0x3FAF] =	sst s1  }
0xa: {  	[smem:$0x3FB0] =	sst s2  }
0xb: {  	[smem:$0x3FB1] =	sst s3  }
0xc: {  	[smem:$0x3FB2] =	sst s4  }
0xd: {  	[smem:$0x3FB3] =	sst s5  }
0xe: {  	[smem:$0x3FB4] =	sst s6  }
0xf: {  	[smem:$0x3FB5] =	sst s7  }
0x10: {  	[smem:$0x3FB6] =	sst s8  }
0x11: {  	[smem:$0x3FB7] =	sst s9;
	s0 =	simm.s32 @!p0 $0x0  }
0x12: {  	s1 =	sld [smem:$0x3F9D];
	s0 =	simm.s32 @p0 $0x1  }
0x13: {  	[smem:$0x3FB8] =	sst s0;
	s0 =	simm.s32 @!p1 $0x0  }
0x14: {  	s2 =	sld [smem:$0x3F9C];
	s0 =	simm.s32 @p1 $0x1  }
0x15: {  	[smem:$0x3FB9] =	sst s0;
	s0 =	simm.s32 @!p2 $0x0  }
0x16: {  	s3 =	sld [smem:$0x3FDB];
	s0 =	simm.s32 @p2 $0x1  }
0x17: {  	s4 =	simm.s32 $0x1BF5;
	[smem:$0x3FBB] =	sst s0  }
0x18: {  	s0 =	sld [smem:$0x3F9E];
	_ =	swait.ge [sflag:s4], $0x0  }
0x19: {  	s7 =	sld [smem:$0x3F9F]  }
0x1a: {  	s8 =	sadd.s32 $0xFFFFE003, lr  }
0x1b: {  	s9 =	sadd.s32 $0xFFFFFEF7, lr;
	s5 =	simm.s32 $0xFFFFFFFF;
	p2 =	slt.u32 s8, $0xFFFFF086  }
0x1c: {  	p1 =	slt.u32 s9, $0xF7A;
	s5 =	simm.s32 @!p2 $0x0  }
0x1d: {  	s5 =	simm.s32 @p1 $0x1;
	p0 =	seq.s32 s7, s2  }
0x1e: {  	s7 =	smul.u32 @!p0 $0xF7A, s2;
	p2 =	seq.s32 @!p0 s5, $0x0  }
0x1f: {  	s9 =	smul.u32 $0xF7A, s1;
	s8 =	simm.s32 @!p0 $0x1BF5;
	p2 =	por !p2, p0  }
0x20: {  	[sflag:s8] =	ssyncset.s32 @!p0 $0xFFFFF086;
	s6 =	sadd.s32 @!p0 s3, s7;
	s7 =	simm.s32 @!p0 $0x108  }
0x21: {  	s3 =	sadd.s32 s3, s9;
	s6 =	sadd.s32 @!p0 $0x88, s6;
	s7 =	simm.s32 @p2 $0x1082  }
0x22: {  	[simem:s7], [sflag:s8] =	dma.local @!p0 [hbm:s6], $0xF7A  }
0x23: {  	s9 =	sor.u32 $0xD0000000, s2;
	s6 =	simm.s32 $0x108;
	_ =	swait.ge @!p0 [sflag:s8], $0x0  }
0x24: {  	s3 =	sadd.s32 $0x88, s3;
	s6 =	simm.s32 @!p1 $0x1082;
	[sflag:s4] =	ssyncset.s32 $0xFFFFF086  }
0x25: {  	[simem:s6], [sflag:s4] =	dma.local [hbm:s3], $0xF7A  }
0x26: {  	[smem:$0x3F9F] =	sst s1;
	(tag) =	ssettag s2;
	_ =	strace s9  }
0x27: {  	s1 =	sld [smem:$0x3FAF]  }
0x28: {  	s2 =	sld [smem:$0x3FB0]  }
0x29: {  	s4 =	sld [smem:$0x3FB2]  }
0x2a: {  	p0 =	seq.s32 s5, $0x0;
	s5 =	sld [smem:$0x3FB3]  }
0x2b: {  	s6 =	sld [smem:$0x3FB4]  }
0x2c: {  	s7 =	sld [smem:$0x3FB5]  }
0x2d: {  	s3 =	simm.s32 $0x108;
	s8 =	sld [smem:$0x3FB6]  }
0x2e: {  	s3 =	simm.s32 @!p0 $0x1082;
	s9 =	sld [smem:$0x3FB7]  }
0x2f: {  	lr =	sadd.s32 s0, s3;
	s0 =	sld [smem:$0x3FAE]  }
0x30: {  	s3 =	sld [smem:$0x3FB1]  }
0x31: {  	[smem:$0x3FBA] =	sst s10  }
0x32: {  	s10 =	sld [smem:$0x3FB8];
	_ =	sdelay $0x3  }
0x33: {  	p0 =	seq.s32 s10, $0x1;
	s10 =	sld [smem:$0x3FBA];
	_ =	sdelay $0x3  }
0x34: {  	[smem:$0x3FBA] =	sst s10  }
0x35: {  	s10 =	sld [smem:$0x3FB9];
	_ =	sdelay $0x3  }
0x36: {  	p1 =	seq.s32 s10, $0x1;
	s10 =	sld [smem:$0x3FBA];
	_ =	sdelay $0x3  }
0x37: {  	[smem:$0x3FBA] =	sst s10  }
0x38: {  	s10 =	sld [smem:$0x3FBB]  }
0x39: {  	_ = 	snop;
	(pc) =	sbr.ind lr, $3  }
0x3a: {  	_ = 	snop  }
0x3b: {  	_ = 	snop  }
0x3c: {  	p2 =	seq.s32 s10, $0x1;
	s10 =	sld [smem:$0x3FBA]  }
0x3d: {  	_ =	shalt  }
0x3e: {  	_ =	shalt  }
0x3f: {  	_ =	shalt  }
0x40: {  	_ =	shalt  }
0x41: {  	_ =	shalt  }
0x42: {  	_ =	shalt  }
0x43: {  	_ =	shalt  }
0x44: {  	_ =	shalt  }
0x45: {  	_ =	shalt  }
0x46: {  	_ =	shalt  }
0x47: {  	_ =	shalt  }
0x48: {  	_ =	shalt  }
0x49: {  	_ =	shalt  }
0x4a: {  	_ =	shalt  }
0x4b: {  	_ =	shalt  }
0x4c: {  	_ =	shalt  }
0x4d: {  	_ =	shalt  }
0x4e: {  	_ =	shalt  }
0x4f: {  	_ =	shalt  }
0x50: {  	_ =	shalt  }
0x51: {  	_ =	shalt  }
0x52: {  	_ =	shalt  }
0x53: {  	_ =	shalt  }
0x54: {  	_ =	shalt  }
0x55: {  	_ =	shalt  }
0x56: {  	_ =	shalt  }
0x57: {  	_ =	shalt  }
0x58: {  	_ =	shalt  }
0x59: {  	_ =	shalt  }
0x5a: {  	_ =	shalt  }
0x5b: {  	_ =	shalt  }
0x5c: {  	_ =	shalt  }
0x5d: {  	_ =	shalt  }
0x5e: {  	_ =	shalt  }
0x5f: {  	_ =	shalt  }
0x60: {  	_ =	shalt  }
0x61: {  	_ =	shalt  }
0x62: {  	_ =	shalt  }
0x63: {  	_ =	shalt  }
0x64: {  	_ =	shalt  }
0x65: {  	_ =	shalt  }
0x66: {  	_ =	shalt  }
0x67: {  	_ =	shalt  }
0x68: {  	_ =	shalt  }
0x69: {  	_ =	shalt  }
0x6a: {  	_ =	shalt  }
0x6b: {  	_ =	shalt  }
0x6c: {  	_ =	shalt  }
0x6d: {  	_ =	shalt  }
0x6e: {  	_ =	shalt  }
0x6f: {  	_ =	shalt  }
0x70: {  	_ =	shalt  }
0x71: {  	_ =	shalt  }
0x72: {  	_ =	shalt  }
0x73: {  	_ =	shalt  }
0x74: {  	_ =	shalt  }
0x75: {  	_ =	shalt  }
0x76: {  	_ =	shalt  }
0x77: {  	_ =	shalt  }
0x78: {  	_ =	shalt  }
0x79: {  	_ =	shalt  }
0x7a: {  	_ =	shalt  }
0x7b: {  	_ =	shalt  }
0x7c: {  	_ =	shalt  }
0x7d: {  	_ =	shalt  }
0x7e: {  	_ =	shalt  }
0x7f: {  	_ =	shalt  }
0x80: {  	_ =	shalt  }
0x81: {  	_ =	shalt  }
0x82: {  	_ =	shalt  }
0x83: {  	_ =	shalt  }
0x84: {  	_ =	shalt  }
0x85: {  	_ =	shalt  }
0x86: {  	_ =	shalt  }
0x87: {  	_ =	shalt  }
.Lfunc_end0:
.L_simem_size_0:
called_computation_lowered:
.L_overlay_start_0:
0x88: {  	s0 =	sld [smem:$0x3FD9]  }
0x89: {  	s1 =	sld [smem:$0x3FFE];
	_ =	sdelay $0x3  }
0x8a: {  	s0 =	sadd.s32 s1, s0  }
0x8b: {  	[smem:$0x3FC6] =	sst s0  }
0x8c: {  	_ = 	snop  }
0x8d: {  	s0 =	sld [smem:$0x3FC9]  }
0x8e: {  	s17 =	sld [smem:$0x3FC8]  }
0x8f: {  	s2 =	sld [smem:$0x3FD0];
	(tm) =	ssettm $0x1  }
0x90: {  	s3 =	sld [smem:$0x3FFB];
	_ =	sdelay $0x3  }
0x91: {  	_ =	strace s3  }
0x92: {  	s3 =	sld [smem:$0x3FFC];
	_ =	sdelay $0x3  }
0x93: {  	_ =	strace s3  }
0x94: {  	s3 =	sld [smem:$0x3FFD];
	_ =	sdelay $0x3  }
0x95: {  	_ =	strace s3  }
0x96: {  	_ =	strace $0x8FFFFFFF  }
0x97: {  	s18 =	sld [smem:$0x3FDB];
	_ =	sdelay $0x1  }
0x98: {  	s4 =	simm.s32 $_scs_section_size  }
0x99: {  	s5 =	simm.s32 $_size__tile_overlayer_lowered;
	s6 =	simm.s32 $_tile_overlayer_lowered  }
0x9a: {  	s21 =	simm.s32 $0x1BFF;
	s20 =	sshll.u32 s6, $0x1;
	s3 =	sadd.s32 s4, s18  }
0x9b: {  	s7 =	simm.s32 $0x0;
	s19 =	sshll.u32 s5, $0x1;
	s5 =	sadd.s32 s20, s3  }
0x9c: {  	[timem:s7], [sflag:s21] =	dma.local [hbm:s5], s19  }
0x9d: {  	_ =	swait.ge [sflag:s21], s19  }
0x9e: {  	s4 =	ssub.s32 $0x0, s19;
	[sflag:s21] =	ssyncset.done $0x0  }
0x9f: {  	[sflag:s21] =	ssyncadd.s32 s4;
	_ =	sdelay $0x1  }
0xa0: {  	s22 =	simm.s32 $0x1B8B  }
0xa1: {  	_ =	swait.ge [sflag:s22], $0x1  }
0xa2: {  	[sflag:s22] =	ssyncset.done $0x0  }
0xa3: {  	s23 =	simm.s32 $0x1B8E;
	[sflag:s22] =	ssyncadd.s32 $0xFFFFFFFF  }
0xa4: {  	s24 =	simm.s32 $execute0_lowered;
	[smem:$0x3FD2] =	sst s23  }
0xa5: {  	s4 =	sshll.u32 s24, $0x1;
	_ =	strace $0x80000046;
	[dreg:$0x1] =	wrdreg $0xFFFFFFFF  }
0xa6: {  	s25 =	simm.s32 $_size_execute0_lowered;
	s3 =	sadd.s32 s3, s4;
	[dreg:$0x0] =	wrdreg $0x0  }
0xa7: {  	s4 =	sshll.u32 s25, $0x1;
	[dreg:$0x2] =	wrdreg s3  }
0xa8: {  	[dreg:$0x3] =	wrdreg s4  }
0xa9: {  	[dreg:$0x4] =	wrdreg $0xC0  }
0xaa: {  	_ =	task [dreg:s7], $0x5FFFF  }
0xab: {  	[dreg:$0x1] =	wrdreg $0xFFFFFFFF  }
0xac: {  	[dreg:$0x0] =	wrdreg $0x60  }
0xad: {  	[dreg:$0x2] =	wrdreg s0  }
0xae: {  	[dreg:$0x3] =	wrdreg s17  }
0xaf: {  	[dreg:$0x4] =	wrdreg s2  }
0xb0: {  	[dreg:$0x5] =	wrdreg $0x9  }
0xb1: {  	_ =	task.clear_ibuf [dreg:s7], $0x6FFFF;
	_ =	strace $0x90000046  }
0xb2: {  	s26 =	simm.s32 $0x9;
	_ =	strace $0x80000048  }
0xb3: {  	_ =	swait.ge [sflag:s26], $0x1  }
0xb4: {  	[sflag:s26] =	ssyncadd.s32 $0xFFFFFFFF  }
0xb5: {  	_ =	strace $0x90000048  }
0xb6: {  	_ =	sfence  }
0xb7: {  	s28 =	sld [smem:$0x0];
	_ =	sdelay $0x1  }
0xb8: {  	s29 =	srdreg.scid  }
0xb9: {  	s30 =	sshll.u32 s29, $0xD;
	s31 =	sshrl.u32 s29, $0x2  }
0xba: {  	s1 =	sand.u32 $0x1, s29;
	s2 =	sand.u32 $0x4000, s30;
	s0 =	sadd.s32 s31, s28  }
0xbb: {  	s1 =	sor.u32 s2, s1;
	s0 =	sshll.u32 s0, $0x11  }
0xbc: {  	s0 =	sor.u32 s0, s1  }
0xbd: {  	s0 =	sadd.s32 $0x8F2B, s0  }
0xbe: {  	[sflag:s0] =	ssyncadd.remote.s32 $0x1  }
0xbf: {  	_ =	sfence.sel $0xFFFF  }
0xc0: {  	[dreg:$0x0] =	wrdreg $0xFFFFFFFF;
	(pc) =	sbr.abs _section_cstart, $3  }
0xc1: {  	[dreg:$0x1] =	wrdreg $0xFFFFFFFF  }
0xc2: {  	_ =	task.clear_ibuf [dreg:s7], $0x2FFFF;
	_ =	strace $0x9FFFFFFF  }
0xc3: {  	(tm) =	ssettm $0x7FFFFFFF  }
tec
execute0_lowered:
.L_overlay_start_1:
0x0: {  	(tag) =	ssettag $0x1  }
0x1: {  	s5 =	rddreg [dreg:$0x0]  }
0x2: {  	s4 =	rddreg [dreg:$0x1]  }
0x3: {  	s2 =	rddreg [dreg:$0x2]  }
0x4: {  	s0 =	rddreg [dreg:$0x3];
	s6 =	simm.s32 $0x0;
	s1 =	stileid.u32  }
0x5: {  	[smem:$0x7FF] =	sst s6;
	s3 =	sshll.u32 s1, $0x7  }
0x6: {  	s29 =	simm.s32 $0x2;
	_ =	strace $0x80000047;
	s5 =	sadd.s32 s5, s3  }
0x7: {  	[tilespmem:s6], [sflag:$0x2] =	stream.linear.gather [hbm4b:s5+s6], $0x400, $0x38;
	[tilespmem:$0xC00] =	vst v63  }
0x8: {  	_ =	swait.ge [sflag:s29], $0x400  }
0x9: {  	[sflag:s29] =	ssyncset.done $0x0  }
0xa: {  	s30 =	simm.s32 $0x20;
	[sflag:s29] =	ssyncadd.s32 $0xFFFFFC00  }
0xb: {  	v1 =	vld [tilespmem:s30+$0x10]  }
0xc: {  	v3 =	vld [tilespmem:s30+$0xFFFFFFF0]  }
0xd: {  	v2 =	vld [tilespmem:s30+$0xFFFFFFE0]  }
0xe: {  	v5 =	vld [tilespmem:s30+$0x0]  }
0xf: {  	s31 =	simm.s32 $0x60  }
0x10: {  	v0 =	vld [tilespmem:s31+$0xFFFFFFF0]  }
0x11: {  	v7 =	vadd.s32 $0xD, v1  }
0x12: {  	v8 =	vadd.s32 $0xD, v3;
	v1 =	vadd.s32 $0xFFF0BDCD, v1;
	v4 =	vadd.s32 $0xD, v2  }
0x13: {  	v6 =	vadd.s32 $0xFFF0BDCD, v2;
	v2 =	vld [tilespmem:s31+$0x10];
	v9 =	vadd.s32 $0xD, v5;
	vm0 =	vgt.s32 v7, $0xF423F  }
0x14: {  	v10 =	vadd.s32 $0xFFF0BDCD, v5;
	v11 =	vadd.s32 $0xFFF0BDCD, v3;
	v7 =	vsel vm0, v1, v7;
	v1 =	vld [tilespmem:s31+$0x0]  }
0x15: {  	s5 =	simm.s32 $0x420;
	v5 =	vld [tilespmem:s31+$0xFFFFFFE0];
	v3 =	vadd.s32 $0xD, v0;
	vm1 =	vgt.s32 v8, $0xF423F;
	vm2 =	vgt.s32 v9, $0xF423F  }
0x16: {  	s7 =	simm.s32 $0x40;
	s8 =	simm.s32 $0xA0;
	s6 =	simm.s32 $0x420;
	vm0 =	vgt.s32 v4, $0xF423F;
	v8 =	vsel vm1, v11, v8;
	[tilespmem:s5+$0x10] =	vst v7;
	v7 =	vsel vm2, v10, v9  }
.LBB2_1:
0x17: {  	s7 =	sadd.s32 $0x40, s7  }
0x18: {  	v9 =	vld [tilespmem:s8+$0xFFFFFFF0];
	v10 =	vadd.s32 $0xD, v2;
	v4 =	vsel vm0, v6, v4;
	[tilespmem:s5+$0xFFFFFFF0] =	vst v8;
	s6 =	sadd.s32 $0x40, s6;
	p0 =	slt.u32 s7, $0x3C0  }
.Ltmp0:
0x19: {  	v8 =	vadd.s32 $0xFFF0BDCD, v2;
	vm0 =	vgt.s32 v10, $0xF423F;
	v2 =	vld [tilespmem:s8+$0x10];
	[tilespmem:s5+$0xFFFFFFE0] =	vst v4;
	v11 =	vmov v1;
	(pc) =	sbr.rel @p0 .LBB2_1-.Ltmp0, $4  }
0x1a: {  	v1 =	vld [tilespmem:s8+$0x0];
	v4 =	vadd.s32 $0xD, v5;
	v6 =	vadd.s32 $0xFFF0BDCD, v5;
	v8 =	vsel vm0, v8, v10;
	[tilespmem:s5+$0x0] =	vst v7;
	s5 =	smov.u32 s6  }
0x1b: {  	v7 =	vadd.s32 $0xD, v11;
	v10 =	vadd.s32 $0xFFF0BDCD, v11;
	v5 =	vld [tilespmem:s8+$0xFFFFFFE0];
	vm0 =	vgt.s32 v4, $0xF423F;
	[tilespmem:s6+$0x10] =	vst v8  }
0x1c: {  	vm1 =	vgt.s32 v3, $0xF423F;
	v11 =	vadd.s32 $0xFFF0BDCD, v0;
	vm2 =	vgt.s32 v7, $0xF423F  }
0x1d: {  	s8 =	sadd.s32 $0x40, s8;
	v8 =	vsel vm1, v11, v3;
	v7 =	vsel vm2, v10, v7;
	v3 =	vadd.s32 $0xD, v9;
	v0 =	vmovc v9  }
0x1e: {  	v9 =	vadd.s32 $0xD, v2;
	v4 =	vsel vm0, v6, v4;
	[tilespmem:s5+$0xFFFFFFF0] =	vst v8;
	v2 =	vadd.s32 $0xFFF0BDCD, v2  }
0x1f: {  	[tilespmem:s5+$0x0] =	vst v7;
	vm8 =	vgt.s32 v3, $0xF423F;
	v0 =	vadd.s32 $0xFFF0BDCD, v0;
	vm7 =	vgt.s32 v9, $0xF423F  }
0x20: {  	s6 =	sadd.s32 $0x40, s6;
	[tilespmem:s5+$0xFFFFFFE0] =	vst v4;
	v6 =	vadd.s32 $0xD, v1;
	v0 =	vsel vm8, v0, v3;
	v1 =	vadd.s32 $0xFFF0BDCD, v1  }
0x21: {  	v4 =	vadd.s32 $0xD, v5;
	v2 =	vsel vm7, v2, v9;
	vm9 =	vgt.s32 v6, $0xF423F;
	[tilespmem:s6+$0xFFFFFFF0] =	vst v0  }
0x22: {  	v5 =	vadd.s32 $0xFFF0BDCD, v5;
	vm1 =	vgt.s32 v4, $0xF423F;
	[tilespmem:s6+$0x10] =	vst v2;
	v0 =	vsel vm9, v1, v6  }
0x23: {  	v2 =	vsel vm1, v5, v4;
	[tilespmem:s6+$0x0] =	vst v0  }
0x24: {  	s14 =	simm.s32 $0x80;
	s15 =	simm.s32 $0x400;
	s7 =	simm.s32 $0x800;
	[tilespmem:s6+$0xFFFFFFE0] =	vst v2  }
0x25: {  	[tilespmem:s7], [sflag:$0x1] =	stream.indirect.gather [hbm4b:s4+s14], $0x1, s15, s14, $0xb8;
	[tilespmem:$0xC00] =	vst v63  }
0x26: {  	s16 =	simm.s32 $0x480;
	s17 =	simm.s32 $0x880  }
0x27: {  	[tilespmem:s17], [sflag:$0x1] =	stream.indirect.gather [hbm4b:s4+s14], $0x1, s16, s14, $0xb8;
	[tilespmem:$0xC00] =	vst v63  }
0x28: {  	s18 =	simm.s32 $0x500;
	s19 =	simm.s32 $0x900  }
0x29: {  	[tilespmem:s19], [sflag:$0x1] =	stream.indirect.gather [hbm4b:s4+s14], $0x1, s18, s14, $0xb8;
	[tilespmem:$0xC00] =	vst v63  }
0x2a: {  	s20 =	simm.s32 $0x580;
	s21 =	simm.s32 $0x980  }
0x2b: {  	[tilespmem:s21], [sflag:$0x1] =	stream.indirect.gather [hbm4b:s4+s14], $0x1, s20, s14, $0xb8;
	[tilespmem:$0xC00] =	vst v63  }
0x2c: {  	s22 =	simm.s32 $0x600;
	s23 =	simm.s32 $0xA00  }
0x2d: {  	[tilespmem:s23], [sflag:$0x1] =	stream.indirect.gather [hbm4b:s4+s14], $0x1, s22, s14, $0xb8;
	[tilespmem:$0xC00] =	vst v63  }
0x2e: {  	s24 =	simm.s32 $0x680;
	s25 =	simm.s32 $0xA80  }
0x2f: {  	[tilespmem:s25], [sflag:$0x1] =	stream.indirect.gather [hbm4b:s4+s14], $0x1, s24, s14, $0xb8;
	[tilespmem:$0xC00] =	vst v63  }
0x30: {  	s26 =	simm.s32 $0x700;
	s28 =	simm.s32 $0xB00  }
0x31: {  	[tilespmem:s28], [sflag:$0x1] =	stream.indirect.gather [hbm4b:s4+s14], $0x1, s26, s14, $0xb8;
	[tilespmem:$0xC00] =	vst v63  }
0x32: {  	s29 =	simm.s32 $0x780;
	s30 =	simm.s32 $0xB80;
	s31 =	simm.s32 $0x1  }
0x33: {  	[tilespmem:s30], [sflag:$0x1] =	stream.indirect.gather [hbm4b:s4+s14], $0x1, s29, s14, $0xb8;
	[tilespmem:$0xC00] =	vst v63  }
0x34: {  	_ =	swait.ge [sflag:s31], $0x80  }
0x35: {  	[sflag:s31] =	ssyncset.done $0x0  }
0x36: {  	[sflag:s31] =	ssyncadd.s32 $0xFFFFFF80  }
0x37: {  	_ =	swait.ge [sflag:s31], $0x80  }
0x38: {  	[sflag:s31] =	ssyncset.done $0x0  }
0x39: {  	[sflag:s31] =	ssyncadd.s32 $0xFFFFFF80  }
0x3a: {  	_ =	swait.ge [sflag:s31], $0x80  }
0x3b: {  	[sflag:s31] =	ssyncset.done $0x0  }
0x3c: {  	[sflag:s31] =	ssyncadd.s32 $0xFFFFFF80  }
0x3d: {  	_ =	swait.ge [sflag:s31], $0x80  }
0x3e: {  	[sflag:s31] =	ssyncset.done $0x0  }
0x3f: {  	[sflag:s31] =	ssyncadd.s32 $0xFFFFFF80  }
0x40: {  	_ =	swait.ge [sflag:s31], $0x80  }
0x41: {  	[sflag:s31] =	ssyncset.done $0x0  }
0x42: {  	[sflag:s31] =	ssyncadd.s32 $0xFFFFFF80  }
0x43: {  	_ =	swait.ge [sflag:s31], $0x80  }
0x44: {  	[sflag:s31] =	ssyncset.done $0x0  }
0x45: {  	[sflag:s31] =	ssyncadd.s32 $0xFFFFFF80  }
0x46: {  	_ =	swait.ge [sflag:s31], $0x80  }
0x47: {  	[sflag:s31] =	ssyncset.done $0x0  }
0x48: {  	[sflag:s31] =	ssyncadd.s32 $0xFFFFFF80  }
0x49: {  	_ =	swait.ge [sflag:s31], $0x80  }
0x4a: {  	[sflag:s31] =	ssyncset.done $0x0  }
0x4b: {  	s4 =	simm.s32 $0x820;
	[sflag:s31] =	ssyncadd.s32 $0xFFFFFF80  }
0x4c: {  	v1 =	vld [tilespmem:s4+$0x10]  }
0x4d: {  	v2 =	vld [tilespmem:s4+$0xFFFFFFF0];
	_ =	sdelay $0x3  }
0x4e: {  	v0 =	vand.u32 $0x7FFFFF, v1  }
0x4f: {  	v3 =	vand.u32 $0x7FFFFF, v2;
	v0 =	vor.u32 $0x3F800000, v0  }
0x50: {  	v3 =	vor.u32 $0x3F800000, v3;
	v4 =	vmul.f32 $5.000000000e-01, v0  }
0x51: {  	vm10 =	vgt.f32 v0, $1.414213540e+00;
	v5 =	vmul.f32 $5.000000000e-01, v3  }
0x52: {  	vm11 =	vgt.f32 v3, $1.414213540e+00;
	v0 =	vsel vm10, v4, v0  }
0x53: {  	v6 =	vld [tilespmem:s4+$0xFFFFFFE0];
	v3 =	vsel vm11, v5, v3;
	v5 =	vadd.f32 $-1.000000000e+00, v0;
	_ =	sdelay $0x1  }
0x54: {  	v7 =	vadd.f32 $-1.000000000e+00, v3;
	v3 =	vld [tilespmem:s4+$0x0];
	v0 =	vmul.f32 $7.037683580e-02, v5;
	_ =	sdelay $0x1  }
0x55: {  	v4 =	vmul.f32 $7.037683580e-02, v7;
	v0 =	vadd.f32 $-1.151461010e-01, v0  }
0x56: {  	v8 =	vand.u32 $0x7FFFFF, v6  }
0x57: {  	v8 =	vor.u32 $0x3F800000, v8;
	v4 =	vadd.f32 $-1.151461010e-01, v4;
	v0 =	vmul.f32 v0, v5  }
0x58: {  	v10 =	vmul.f32 $5.000000000e-01, v8;
	v9 =	vand.u32 $0x7FFFFF, v3  }
0x59: {  	v4 =	vmul.f32 v4, v7;
	v9 =	vor.u32 $0x3F800000, v9;
	v0 =	vadd.f32 $1.167699840e-01, v0  }
0x5a: {  	vm3 =	vgt.f32 v8, $1.414213540e+00;
	v12 =	vmul.f32 $5.000000000e-01, v9;
	vm2 =	vgt.f32 v9, $1.414213540e+00  }
0x5b: {  	s5 =	simm.s32 $0x860;
	v11 =	vadd.f32 $1.167699840e-01, v4;
	v4 =	vsel vm3, v10, v8;
	v0 =	vmul.f32 v0, v5  }
0x5c: {  	v20 =	vld [tilespmem:s5+$0xFFFFFFE0];
	v4 =	vadd.f32 $-1.000000000e+00, v4;
	v8 =	vsel vm2, v12, v9  }
0x5d: {  	v8 =	vadd.f32 $-1.000000000e+00, v8;
	v0 =	vadd.f32 $-1.242014100e-01, v0  }
0x5e: {  	v10 =	vmul.f32 v11, v7;
	v9 =	vmul.f32 $7.037683580e-02, v4  }
0x5f: {  	v2 =	vshrl.u32 v2, $0x17;
	v11 =	vmul.f32 $7.037683580e-02, v8;
	v0 =	vmul.f32 v0, v5  }
0x60: {  	v1 =	vshrl.u32 v1, $0x17;
	v6 =	vshrl.u32 v6, $0x17;
	v9 =	vadd.f32 $-1.151461010e-01, v9  }
0x61: {  	v23 =	vand.u32 $0x7FFFFF, v20;
	v11 =	vadd.f32 $-1.151461010e-01, v11;
	v0 =	vadd.f32 $1.424932330e-01, v0  }
0x62: {  	v15 =	vmul.f32 v5, v5;
	v10 =	vadd.f32 $-1.242014100e-01, v10;
	v9 =	vmul.f32 v9, v4  }
0x63: {  	v20 =	vshrl.u32 v20, $0x17;
	v11 =	vmul.f32 v11, v8;
	v12 =	vmul.f32 v0, v5  }
0x64: {  	v58 =	vmul.f32 v8, v8;
	v10 =	vmul.f32 v10, v7;
	v9 =	vadd.f32 $1.167699840e-01, v9  }
0x65: {  	v3 =	vshrl.u32 v3, $0x17;
	v11 =	vadd.f32 $1.167699840e-01, v11;
	v12 =	vadd.f32 $-1.666805740e-01, v12  }
0x66: {  	v60 =	vmul.f32 $5.000000000e-01, v58;
	v10 =	vadd.f32 $1.424932330e-01, v10;
	v9 =	vmul.f32 v9, v4  }
0x67: {  	v0 =	vimm.s32 $0xFFFFFF81;
	v11 =	vmul.f32 v11, v8;
	v12 =	vmul.f32 v12, v5  }
0x68: {  	v10 =	vmul.f32 v10, v7;
	v13 =	vsel vm10, $0xFFFFFF82, v0;
	v9 =	vadd.f32 $-1.242014100e-01, v9  }
0x69: {  	v14 =	vsel vm3, $0xFFFFFF82, v0;
	v11 =	vadd.f32 $-1.242014100e-01, v11;
	v12 =	vadd.f32 $2.000071410e-01, v12  }
0x6a: {  	v16 =	vsel vm2, $0xFFFFFF82, v0;
	v10 =	vadd.f32 $-1.666805740e-01, v10;
	v9 =	vmul.f32 v9, v4  }
0x6b: {  	v18 =	vsel vm11, $0xFFFFFF82, v0;
	v11 =	vmul.f32 v11, v8;
	v12 =	vmul.f32 v12, v5  }
0x6c: {  	v1 =	vadd.s32 v1, v13;
	v10 =	vmul.f32 v10, v7;
	v9 =	vadd.f32 $1.424932330e-01, v9  }
0x6d: {  	v13 =	vmul.f32 $5.000000000e-01, v15;
	v11 =	vadd.f32 $1.424932330e-01, v11;
	v12 =	vadd.f32 $-2.499999400e-01, v12  }
0x6e: {  	v3 =	vadd.s32 v3, v16;
	v10 =	vadd.f32 $2.000071410e-01, v10;
	v9 =	vmul.f32 v9, v4  }
0x6f: {  	v2 =	vadd.s32 v2, v18;
	v11 =	vmul.f32 v11, v8;
	v12 =	vmul.f32 v12, v5  }
0x70: {  	v1 =	vcvt.s32.f32 v1;
	v10 =	vmul.f32 v10, v7;
	v9 =	vadd.f32 $-1.666805740e-01, v9  }
0x71: {  	v16 =	vcvt.s32.f32 v3;
	v3 =	vadd.f32 $-1.666805740e-01, v11;
	v11 =	vadd.f32 $3.333333130e-01, v12  }
0x72: {  	v2 =	vcvt.s32.f32 v2;
	v10 =	vadd.f32 $-2.499999400e-01, v10;
	v9 =	vmul.f32 v9, v4  }
0x73: {  	v6 =	vadd.s32 v6, v14;
	v3 =	vmul.f32 v3, v8;
	v12 =	vmul.f32 v11, v5  }
0x74: {  	v6 =	vcvt.s32.f32 v6;
	v10 =	vmul.f32 v10, v7;
	v9 =	vadd.f32 $2.000071410e-01, v9  }
0x75: {  	v14 =	vld [tilespmem:s5+$0xFFFFFFF0];
	v17 =	vmul.f32 $2.121944420e-04, v1;
	v3 =	vadd.f32 $2.000071410e-01, v3;
	v15 =	vmul.f32 v12, v15  }
0x76: {  	v1 =	vmul.f32 $6.933593750e-01, v1;
	v10 =	vadd.f32 $3.333333130e-01, v10;
	v18 =	vmul.f32 v9, v4  }
0x77: {  	v11 =	vmul.f32 v7, v7;
	v3 =	vmul.f32 v3, v8;
	v15 =	vsub.f32 v15, v17;
	v17 =	vld [tilespmem:s5+$0x10]  }
0x78: {  	v10 =	vmul.f32 v10, v7;
	v9 =	vmul.f32 $6.933593750e-01, v2;
	v18 =	vadd.f32 $-2.499999400e-01, v18  }
0x79: {  	v13 =	vsub.f32 v15, v13;
	v15 =	vmul.f32 $2.121944420e-04, v2;
	v2 =	vadd.f32 $-2.499999400e-01, v3  }
0x7a: {  	v21 =	vshrl.u32 v14, $0x17;
	v12 =	vmul.f32 v10, v11;
	v3 =	vmul.f32 v18, v4  }
0x7b: {  	v5 =	vadd.f32 v13, v5;
	v13 =	vmul.f32 v2, v8;
	v2 =	vand.u32 $0x7FFFFF, v14  }
0x7c: {  	v3 =	vadd.f32 $3.333333130e-01, v3;
	v14 =	vshrl.u32 v17, $0x17;
	v17 =	vand.u32 $0x7FFFFF, v17  }
0x7d: {  	v22 =	vadd.f32 v5, v1;
	v1 =	vor.u32 $0x3F800000, v2;
	v2 =	vor.u32 $0x3F800000, v17  }
0x7e: {  	v23 =	vor.u32 $0x3F800000, v23;
	v10 =	vmul.f32 v4, v4;
	v5 =	vmul.f32 $5.000000000e-01, v2  }
0x7f: {  	v3 =	vmul.f32 v3, v4;
	vm12 =	vgt.f32 v2, $1.414213540e+00;
	v24 =	vmul.f32 $5.000000000e-01, v1  }
0x80: {  	v17 =	vmul.f32 $5.000000000e-01, v10;
	vm13 =	vgt.f32 v1, $1.414213540e+00;
	v2 =	vsel vm12, v5, v2  }
0x81: {  	v10 =	vmul.f32 v3, v10;
	v1 =	vsel vm13, v24, v1;
	v3 =	vadd.f32 $-1.000000000e+00, v2  }
0x82: {  	v19 =	vmul.f32 $2.121944420e-04, v16;
	v16 =	vmul.f32 $6.933593750e-01, v16;
	v1 =	vadd.f32 $-1.000000000e+00, v1  }
0x83: {  	v53 =	vld [tilespmem:s5+$0x0];
	vm14 =	vgt.f32 v23, $1.414213540e+00;
	v11 =	vmul.f32 $5.000000000e-01, v11;
	v27 =	vmul.f32 $7.037683580e-02, v3  }
0x84: {  	v25 =	vsel vm14, $0xFFFFFF82, v0;
	v5 =	vmul.f32 $5.000000000e-01, v23;
	v54 =	vmul.f32 $7.037683580e-02, v1  }
0x85: {  	v18 =	vmul.f32 $2.121944420e-04, v6;
	v12 =	vsub.f32 v12, v15;
	v27 =	vadd.f32 $-1.151461010e-01, v27  }
0x86: {  	v13 =	vadd.f32 $3.333333130e-01, v13;
	v5 =	vsel vm14, v5, v23;
	v23 =	vadd.f32 $-1.151461010e-01, v54  }
0x87: {  	v2 =	vsel vm12, $0xFFFFFF82, v0;
	v10 =	vsub.f32 v10, v18;
	v27 =	vmul.f32 v27, v3  }
0x88: {  	v18 =	vmul.f32 $6.933593750e-01, v6;
	v6 =	vand.u32 $0x7FFFFF, v53;
	v23 =	vmul.f32 v23, v1  }
0x89: {  	v14 =	vadd.s32 v14, v2;
	v29 =	vor.u32 $0x3F800000, v6;
	v55 =	vadd.f32 $1.167699840e-01, v27  }
0x8a: {  	v6 =	vadd.s32 v20, v25;
	v56 =	vmul.f32 $5.000000000e-01, v29;
	v23 =	vadd.f32 $1.167699840e-01, v23  }
0x8b: {  	v2 =	vadd.f32 $-1.000000000e+00, v5;
	vm15 =	vgt.f32 v29, $1.414213540e+00;
	v25 =	vmul.f32 v55, v3  }
0x8c: {  	v17 =	vsub.f32 v10, v17;
	v10 =	vsel vm15, v56, v29;
	v23 =	vmul.f32 v23, v1  }
0x8d: {  	v28 =	vmul.f32 $7.037683580e-02, v2;
	v10 =	vadd.f32 $-1.000000000e+00, v10;
	v25 =	vadd.f32 $-1.242014100e-01, v25  }
0x8e: {  	v11 =	vsub.f32 v12, v11;
	v24 =	vshrl.u32 v53, $0x17;
	v23 =	vadd.f32 $-1.242014100e-01, v23  }
0x8f: {  	v20 =	vadd.f32 $-1.151461010e-01, v28;
	v59 =	vmul.f32 $7.037683580e-02, v10;
	v25 =	vmul.f32 v25, v3  }
0x90: {  	v17 =	vadd.f32 v17, v4;
	v4 =	vmul.f32 v13, v8;
	v23 =	vmul.f32 v23, v1  }
0x91: {  	v20 =	vmul.f32 v20, v2;
	v13 =	vadd.f32 $-1.151461010e-01, v59;
	v25 =	vadd.f32 $1.424932330e-01, v25  }
0x92: {  	v57 =	vsel vm15, $0xFFFFFF82, v0;
	v4 =	vmul.f32 v4, v58;
	v23 =	vadd.f32 $1.424932330e-01, v23  }
0x93: {  	v20 =	vadd.f32 $1.167699840e-01, v20;
	v13 =	vmul.f32 v13, v10;
	v25 =	vmul.f32 v25, v3  }
0x94: {  	v24 =	vadd.s32 v24, v57;
	v19 =	vsub.f32 v4, v19;
	v23 =	vmul.f32 v23, v1  }
0x95: {  	v20 =	vmul.f32 v20, v2;
	v13 =	vadd.f32 $1.167699840e-01, v13;
	v61 =	vadd.f32 $-1.666805740e-01, v25  }
0x96: {  	v4 =	vcvt.s32.f32 v24;
	v19 =	vsub.f32 v19, v60;
	v23 =	vadd.f32 $-1.666805740e-01, v23  }
0x97: {  	v20 =	vadd.f32 $-1.242014100e-01, v20;
	v13 =	vmul.f32 v13, v10;
	v24 =	vmul.f32 v61, v3  }
0x98: {  	v17 =	vadd.f32 v17, v18;
	v8 =	vadd.f32 v19, v8;
	v23 =	vmul.f32 v23, v1  }
0x99: {  	v18 =	vmul.f32 v20, v2;
	v19 =	vadd.f32 $-1.242014100e-01, v13;
	v20 =	vadd.f32 $2.000071410e-01, v24  }
0x9a: {  	v8 =	vadd.f32 v8, v16;
	v13 =	vcvt.s32.f32 v14;
	v23 =	vadd.f32 $2.000071410e-01, v23  }
0x9b: {  	v14 =	vadd.f32 $1.424932330e-01, v18;
	v16 =	vmul.f32 v19, v10;
	v18 =	vmul.f32 v20, v3  }
0x9c: {  	v22 =	vsub.f32 $0.0e+00, v22;
	v62 =	vsub.f32 $0.0e+00, v8;
	v19 =	vmul.f32 v23, v1  }
0x9d: {  	v15 =	vsel vm13, $0xFFFFFF82, v0;
	v8 =	vadd.f32 $1.424932330e-01, v16;
	v16 =	vadd.f32 $-2.499999400e-01, v18  }
0x9e: {  	v14 =	vmul.f32 v14, v2;
	v20 =	vsub.f32 $0.0e+00, v17;
	v17 =	vadd.f32 $-2.499999400e-01, v19  }
0x9f: {  	v7 =	vadd.f32 v11, v7;
	v8 =	vmul.f32 v8, v10;
	v16 =	vmul.f32 v16, v3  }
0xa0: {  	v26 =	vmul.f32 v3, v3;
	v14 =	vadd.f32 $-1.666805740e-01, v14;
	v17 =	vmul.f32 v17, v1  }
0xa1: {  	v11 =	vadd.s32 v21, v15;
	v8 =	vadd.f32 $-1.666805740e-01, v8;
	v12 =	vadd.f32 $3.333333130e-01, v16  }
0xa2: {  	v5 =	vmul.f32 $5.000000000e-01, v26;
	v14 =	vmul.f32 v14, v2;
	v17 =	vadd.f32 $3.333333130e-01, v17  }
0xa3: {  	v7 =	vadd.f32 v7, v9;
	v15 =	vmul.f32 v8, v10;
	v12 =	vmul.f32 v12, v3  }
0xa4: {  	v8 =	vmul.f32 v1, v1;
	v19 =	vadd.f32 $2.000071410e-01, v14;
	v18 =	vmul.f32 v17, v1  }
0xa5: {  	[tilespmem:s4+$0x10] =	vst v22;
	v14 =	vsub.f32 $0.0e+00, v7;
	v16 =	vmul.f32 $2.121944420e-04, v13;
	v63 =	vmul.f32 v12, v26  }
0xa6: {  	[tilespmem:s4+$0x0] =	vst v62;
	v17 =	vadd.f32 $2.000071410e-01, v15;
	v15 =	vmul.f32 v2, v2;
	v9 =	vmul.f32 v18, v8  }
0xa7: {  	s6 =	simm.s32 $0x40;
	s7 =	simm.s32 $0x8A0;
	[tilespmem:s4+$0xFFFFFFE0] =	vst v20;
	v7 =	vmovc v10;
	v12 =	vcvt.s32.f32 v11;
	v18 =	vmul.f32 v19, v2;
	v16 =	vsub.f32 v63, v16  }
.LBB2_3:
0xa8: {  	v19 =	vmov v10  }
0xa9: {  	s6 =	sadd.s32 $0x40, s6;
	v11 =	vmul.f32 $6.933593750e-01, v12;
	v17 =	vmul.f32 v17, v7;
	v10 =	vld [tilespmem:s7+$0xFFFFFFF0];
	[tilespmem:s4+$0xFFFFFFF0] =	vst v14;
	s4 =	smov.u32 s5;
	s5 =	smov.u32 s7  }
0xaa: {  	v6 =	vcvt.s32.f32 v6;
	p0 =	slt.u32 s6, $0x3C0;
	v18 =	vadd.f32 $-2.499999400e-01, v18;
	v5 =	vsub.f32 v16, v5;
	v20 =	vld [tilespmem:s7+$0x10]  }
0xab: {  	v22 =	vmul.f32 $2.121944420e-04, v4;
	v14 =	vmul.f32 $2.121944420e-04, v12;
	v12 =	vadd.f32 $-2.499999400e-01, v17;
	v21 =	vld [tilespmem:s7+$0xFFFFFFE0]  }
0xac: {  	v16 =	vmul.f32 v18, v2;
	v18 =	vmul.f32 $2.121944420e-04, v6;
	v3 =	vadd.f32 v5, v3;
	v23 =	vld [tilespmem:s7+$0x0]  }
0xad: {  	v5 =	vmul.f32 $6.933593750e-01, v13;
	v24 =	vmul.f32 v12, v7  }
0xae: {  	v13 =	vadd.f32 $3.333333130e-01, v16;
	v12 =	vshrl.u32 v10, $0x17;
	v10 =	vand.u32 $0x7FFFFF, v10  }
0xaf: {  	v16 =	vshrl.u32 v20, $0x17;
	v17 =	vand.u32 $0x7FFFFF, v20;
	v20 =	vadd.f32 v3, v5  }
0xb0: {  	v3 =	vor.u32 $0x3F800000, v10;
	v10 =	vmul.f32 v13, v2;
	v5 =	vor.u32 $0x3F800000, v17  }
0xb1: {  	v25 =	vmul.f32 $5.000000000e-01, v15;
	vm1 =	vgt.f32 v5, $1.414213540e+00;
	v13 =	vmul.f32 $5.000000000e-01, v5  }
0xb2: {  	v17 =	vand.u32 $0x7FFFFF, v21;
	v26 =	vmul.f32 $5.000000000e-01, v3;
	v10 =	vmul.f32 v10, v15  }
0xb3: {  	vm0 =	vgt.f32 v3, $1.414213540e+00;
	v27 =	vor.u32 $0x3F800000, v17;
	v5 =	vsel vm1, v13, v5  }
0xb4: {  	v15 =	vsel vm0, v26, v3;
	v13 =	vmul.f32 $5.000000000e-01, v27;
	v3 =	vadd.f32 $-1.000000000e+00, v5  }
0xb5: {  	vm2 =	vgt.f32 v27, $1.414213540e+00;
	v17 =	vadd.f32 $-1.000000000e+00, v15;
	v5 =	vsel vm1, $0xFFFFFF82, v0  }
0xb6: {  	v26 =	vsel vm2, $0xFFFFFF82, v0;
	v15 =	vmul.f32 v3, v3;
	v28 =	vmul.f32 $7.037683580e-02, v3  }
0xb7: {  	v13 =	vsel vm2, v13, v27;
	v27 =	vmul.f32 $7.037683580e-02, v17;
	v29 =	vadd.s32 v16, v5  }
0xb8: {  	v16 =	vadd.f32 $-1.000000000e+00, v13;
	v13 =	vadd.f32 $-1.151461010e-01, v28;
	v5 =	vmul.f32 $5.000000000e-01, v15  }
0xb9: {  	v10 =	vsub.f32 v10, v18;
	v18 =	vmul.f32 $6.933593750e-01, v6;
	v27 =	vadd.f32 $-1.151461010e-01, v27  }
0xba: {  	v6 =	vand.u32 $0x7FFFFF, v23;
	v28 =	vmul.f32 $7.037683580e-02, v16;
	v13 =	vmul.f32 v13, v3  }
0xbb: {  	v21 =	vshrl.u32 v21, $0x17;
	v30 =	vor.u32 $0x3F800000, v6;
	v27 =	vmul.f32 v27, v17  }
0xbc: {  	v6 =	vadd.s32 v21, v26;
	v21 =	vadd.f32 $-1.151461010e-01, v28;
	v13 =	vadd.f32 $1.167699840e-01, v13  }
0xbd: {  	v25 =	vsub.f32 v10, v25;
	v26 =	vadd.f32 $1.167699840e-01, v27;
	v27 =	vmul.f32 $5.000000000e-01, v30  }
0xbe: {  	vm1 =	vgt.f32 v30, $1.414213540e+00;
	v21 =	vmul.f32 v21, v16;
	v13 =	vmul.f32 v13, v3  }
0xbf: {  	v24 =	vadd.f32 $3.333333130e-01, v24;
	v26 =	vmul.f32 v26, v17;
	v10 =	vsel vm1, v27, v30  }
0xc0: {  	v27 =	vsel vm1, $0xFFFFFF82, v0;
	v10 =	vadd.f32 $-1.000000000e+00, v10;
	v13 =	vadd.f32 $-1.242014100e-01, v13  }
0xc1: {  	v19 =	vmul.f32 v19, v7;
	v21 =	vadd.f32 $1.167699840e-01, v21;
	v26 =	vadd.f32 $-1.242014100e-01, v26  }
0xc2: {  	v20 =	vsub.f32 $0.0e+00, v20;
	v28 =	vmul.f32 $7.037683580e-02, v10;
	v13 =	vmul.f32 v13, v3  }
0xc3: {  	v24 =	vmul.f32 v24, v7;
	v25 =	vadd.f32 v25, v2;
	v2 =	vmovc v16;
	v26 =	vmul.f32 v26, v17  }
0xc4: {  	v30 =	vmul.f32 $5.000000000e-01, v19;
	v28 =	vadd.f32 $-1.151461010e-01, v28;
	v13 =	vadd.f32 $1.424932330e-01, v13;
	[tilespmem:s4+$0x10] =	vst v20  }
0xc5: {  	v23 =	vshrl.u32 v23, $0x17;
	v19 =	vmul.f32 v24, v19;
	v20 =	vadd.f32 $1.424932330e-01, v26  }
0xc6: {  	v23 =	vadd.s32 v23, v27;
	v24 =	vmul.f32 v28, v10;
	v13 =	vmul.f32 v13, v3  }
0xc7: {  	v19 =	vsub.f32 v19, v22;
	v21 =	vmul.f32 v21, v2;
	v20 =	vmul.f32 v20, v17  }
0xc8: {  	v23 =	vcvt.s32.f32 v23;
	v22 =	vadd.f32 $1.167699840e-01, v24;
	v13 =	vadd.f32 $-1.666805740e-01, v13  }
0xc9: {  	v19 =	vsub.f32 v19, v30;
	v24 =	vmul.f32 $6.933593750e-01, v4;
	v20 =	vadd.f32 $-1.666805740e-01, v20  }
0xca: {  	v21 =	vadd.f32 $-1.242014100e-01, v21;
	v4 =	vmovc v23;
	v22 =	vmul.f32 v22, v10;
	v13 =	vmul.f32 v13, v3  }
0xcb: {  	v18 =	vadd.f32 v25, v18;
	v19 =	vadd.f32 v19, v7;
	v7 =	vmovc v10;
	v20 =	vmul.f32 v20, v17  }
0xcc: {  	v21 =	vmul.f32 v21, v2;
	v22 =	vadd.f32 $-1.242014100e-01, v22;
	v23 =	vadd.f32 $2.000071410e-01, v13  }
0xcd: {  	v19 =	vadd.f32 v19, v24;
	v20 =	vadd.f32 $2.000071410e-01, v20;
	v13 =	vcvt.s32.f32 v29  }
0xce: {  	v21 =	vadd.f32 $1.424932330e-01, v21;
	v22 =	vmul.f32 v22, v7;
	v23 =	vmul.f32 v23, v3  }
0xcf: {  	v18 =	vsub.f32 $0.0e+00, v18;
	v19 =	vsub.f32 $0.0e+00, v19;
	v20 =	vmul.f32 v20, v17  }
0xd0: {  	v8 =	vmul.f32 $5.000000000e-01, v8;
	v22 =	vadd.f32 $1.424932330e-01, v22;
	v23 =	vadd.f32 $-2.499999400e-01, v23  }
0xd1: {  	v9 =	vsub.f32 v9, v14;
	v21 =	vmul.f32 v21, v2;
	v20 =	vadd.f32 $-2.499999400e-01, v20;
	[tilespmem:s4+$0x0] =	vst v19  }
0xd2: {  	v14 =	vsel vm0, $0xFFFFFF82, v0;
	v19 =	vmul.f32 v22, v7;
	v22 =	vmul.f32 v23, v3;
	[tilespmem:s4+$0xFFFFFFE0] =	vst v18  }
0xd3: {  	v8 =	vsub.f32 v9, v8;
	v18 =	vadd.f32 $-1.666805740e-01, v21;
	v20 =	vmul.f32 v20, v17  }
0xd4: {  	v21 =	vmul.f32 $2.121944420e-04, v13;
	v9 =	vadd.f32 $-1.666805740e-01, v19;
	v19 =	vadd.f32 $3.333333130e-01, v22  }
0xd5: {  	v18 =	vmul.f32 v18, v2;
	v20 =	vadd.f32 $3.333333130e-01, v20;
	v22 =	vadd.f32 v8, v1;
	v1 =	vmovc v17  }
.Ltmp1:
0xd6: {  	v12 =	vadd.s32 v12, v14;
	v9 =	vmul.f32 v9, v7;
	v14 =	vmul.f32 v19, v3;
	(pc) =	sbr.rel @p0 .LBB2_3-.Ltmp1, $4  }
0xd7: {  	v8 =	vmul.f32 v17, v1;
	v19 =	vmul.f32 v20, v1;
	v11 =	vadd.f32 v22, v11  }
0xd8: {  	v18 =	vadd.f32 $2.000071410e-01, v18;
	v17 =	vadd.f32 $2.000071410e-01, v9;
	v20 =	vmul.f32 v14, v15  }
0xd9: {  	v12 =	vcvt.s32.f32 v12;
	v9 =	vmul.f32 v19, v8;
	v14 =	vsub.f32 $0.0e+00, v11  }
0xda: {  	s7 =	sadd.s32 $0x40, s7;
	v15 =	vmul.f32 v16, v2;
	v18 =	vmul.f32 v18, v2;
	v16 =	vsub.f32 v20, v21  }
0xdb: {  	v0 =	vmul.f32 v17, v7  }
0xdc: {  	v11 =	vadd.f32 $-2.499999400e-01, v18  }
0xdd: {  	v0 =	vadd.f32 $-2.499999400e-01, v0  }
0xde: {  	v11 =	vmul.f32 v11, v2  }
0xdf: {  	v0 =	vmul.f32 v0, v7  }
0xe0: {  	v11 =	vadd.f32 $3.333333130e-01, v11  }
0xe1: {  	v10 =	vmul.f32 v10, v7;
	v6 =	vcvt.s32.f32 v6;
	v0 =	vadd.f32 $3.333333130e-01, v0  }
0xe2: {  	v52 =	vmul.f32 $2.121944420e-04, v4;
	v11 =	vmul.f32 v11, v2  }
0xe3: {  	v54 =	vmul.f32 $2.121944420e-04, v12;
	v0 =	vmul.f32 v0, v7  }
0xe4: {  	v53 =	vmul.f32 $2.121944420e-04, v6;
	v11 =	vmul.f32 v11, v15  }
0xe5: {  	v8 =	vmul.f32 $5.000000000e-01, v8;
	v9 =	vsub.f32 v9, v54;
	v0 =	vmul.f32 v0, v10  }
0xe6: {  	v5 =	vsub.f32 v16, v5;
	v55 =	vmul.f32 $5.000000000e-01, v15;
	v11 =	vsub.f32 v11, v53  }
0xe7: {  	v59 =	vsub.f32 v9, v8;
	v10 =	vmul.f32 $5.000000000e-01, v10;
	v0 =	vsub.f32 v0, v52  }
0xe8: {  	v56 =	vmul.f32 $6.933593750e-01, v13;
	v3 =	vadd.f32 v5, v3;
	v57 =	vsub.f32 v11, v55  }
0xe9: {  	v62 =	vmul.f32 $6.933593750e-01, v12;
	v1 =	vadd.f32 v59, v1;
	v0 =	vsub.f32 v0, v10  }
0xea: {  	v60 =	vmul.f32 $6.933593750e-01, v6;
	v3 =	vadd.f32 v3, v56;
	v61 =	vadd.f32 v57, v2  }
0xeb: {  	v58 =	vmul.f32 $6.933593750e-01, v4;
	v1 =	vadd.f32 v1, v62;
	v0 =	vadd.f32 v0, v7  }
0xec: {  	v3 =	vsub.f32 $0.0e+00, v3;
	v2 =	vadd.f32 v61, v60  }
0xed: {  	[tilespmem:s4+$0xFFFFFFF0] =	vst v14;
	v63 =	vsub.f32 $0.0e+00, v1;
	v0 =	vadd.f32 v0, v58  }
0xee: {  	[tilespmem:s5+$0x10] =	vst v3;
	v2 =	vsub.f32 $0.0e+00, v2  }
0xef: {  	[tilespmem:s5+$0xFFFFFFF0] =	vst v63;
	v0 =	vsub.f32 $0.0e+00, v0  }
0xf0: {  	s2 =	sadd.s32 s2, s3;
	[tilespmem:s5+$0xFFFFFFE0] =	vst v2  }
0xf1: {  	s29 =	simm.s32 $0x0;
	s30 =	simm.s32 $0x800;
	s31 =	simm.s32 $0x2;
	[tilespmem:s5+$0x0] =	vst v0  }
0xf2: {  	[hbm4b:s2+s29] =	stream.linear.scatter [tilespmem:s30], [sflag:$0x2], $0x400, $0x38;
	[tilespmem:$0xC00] =	vst v63  }
0xf3: {  	_ =	swait.ge [sflag:s31], $0x400  }
0xf4: {  	[sflag:s31] =	ssyncset.done $0x0  }
0xf5: {  	[sflag:s31] =	ssyncadd.s32 $0xFFFFFC00  }
0xf6: {  	_ =	sfence.sel $0x180000  }
0xf7: {  	[bflag:$0x0] =	sbarrier.arrive $0xFFFF  }
0xf8: {  	p0 =	sne.s32 s1, $0x0;
	_ =	strace $0x90000047  }
0xf9: {  	s0 =	sadd.s32 @!p0 $0x100000, s0;
	[bflag:$0x2] =	sbarrier.arrive $0xFFFF  }
0xfa: {  	[sflag:s0] =	ssyncadd.tile.s32 @!p0 $0x1;
	_ =	shalt  }
.Lfunc_end2:
_tile_overlayer_lowered:
.L_overlay_start_2:
0xfb: {  	(tag) =	ssettag $0x2  }
0xfc: {  	s0 =	rddreg [dreg:$0x0];
	s2 =	stileid.u32  }
0xfd: {  	s1 =	rddreg [dreg:$0x1];
	p0 =	sne.s32 s2, $0x0  }
0xfe: {  	s3 =	rddreg [dreg:$0x2];
	[bflag:$0x3] =	sbarrier.arrive $0xFFFF;
	s2 =	simm.s32 @!p0 $0x1C02  }
0xff: {  	[timem:s3], [sflag:s2] =	dma.local @!p0 [hbm:s0], s1  }
0x100: {  	s0 =	simm.s32 @!p0 $0x2  }
0x101: {  	_ =	swait.ge @!p0 [sflag:s0], s1  }
0x102: {  	s1 =	ssub.s32 @!p0 $0x0, s1;
	[sflag:s0] =	ssyncset.done @!p0 $0x0  }
0x103: {  	[sflag:s0] =	ssyncadd.s32 @!p0 s1  }
0x104: {  	[bflag:$0x3] =	sbarrier.arrive $0xFFFF  }
0x105: {  	_ =	shalt  }

</sc_bundles>
